<compile_context>
chip_gen: v7x
topology: tpu7x:2x2x1
jax: 0.10.2.dev20260603
libtpu: 0.0.44.dev20260713+nightly
codegen_flags: <defaults>
</compile_context>

<pallas_src>
import functools

import jax
import jax.numpy as jnp
from jax import lax
from jax.experimental import pallas as pl
from jax.experimental.pallas import tpu as pltpu
from jax.experimental.pallas import tpu_sc as plsc

N = 8192
K = 8192
D = 32
TN = 512
TKC = 2048
NB = N // TN
NCH = K // TKC

NW = 32
TPW = N // NW
GCH = 128


def _argmin_body(z_ref, e_ref, idx_ref, loss_ref):
    pid = pl.program_id(0)
    zb = z_ref[...]
    z2 = jnp.sum(zb * zb, axis=1, keepdims=True)
    zb16 = zb.astype(jnp.bfloat16)
    minv = jnp.full((TN, 1), jnp.inf, dtype=jnp.float32)
    mini = jnp.zeros((TN, 1), dtype=jnp.int32)
    for c in range(NCH):
        ec = e_ref[c * TKC:(c + 1) * TKC, :]
        e2 = jnp.sum(ec * ec, axis=1)[None, :]
        mm = lax.dot_general(zb16, ec.astype(jnp.bfloat16),
                             (((1,), (1,)), ((), ())),
                             preferred_element_type=jnp.float32)
        d = (z2 + e2) - 2.0 * mm
        cmin = jnp.min(d, axis=1, keepdims=True)
        io = lax.broadcasted_iota(jnp.int32, (TN, TKC), 1)
        cidx = jnp.min(jnp.where(d == cmin, io, K), axis=1,
                       keepdims=True) + c * TKC
        upd = cmin < minv
        mini = jnp.where(upd, cidx, mini)
        minv = jnp.where(upd,
                         cmin.astype(jnp.bfloat16).astype(jnp.float32),
                         minv)
    idx_ref[0, 0, :] = mini[:, 0]

    @pl.when(pid == 0)
    def _():
        loss_ref[...] = jnp.zeros((1, 1), jnp.float32)

    loss_ref[...] += jnp.sum(minv).reshape(1, 1)


_argmin_call = pl.pallas_call(
    _argmin_body,
    grid=(NB,),
    in_specs=[
        pl.BlockSpec((TN, D), lambda i: (i, 0)),
        pl.BlockSpec((K, D), lambda i: (0, 0)),
    ],
    out_specs=[
        pl.BlockSpec((1, 1, TN), lambda i: (i, 0, 0)),
        pl.BlockSpec((1, 1), lambda i: (0, 0)),
    ],
    out_shape=[
        jax.ShapeDtypeStruct((NB, 1, TN), jnp.int32),
        jax.ShapeDtypeStruct((1, 1), jnp.float32),
    ],
)


def _sc_gather_hist_body(emb_hbm, idx_hbm, zvq_hbm, counts_hbm,
                         idx_v, rows_v, ones_v, zeros_v, hist_sh, sem):
    cid = lax.axis_index("c")
    sid = lax.axis_index("s")
    tbase = sid * (4 * GCH)
    for j in range(4):
        pltpu.sync_copy(idx_hbm.at[pl.ds(tbase + j * GCH, GCH)],
                        idx_v.at[j])
    for j in range(GCH // 16):
        ones_v[pl.ds(j * 16, 16)] = jnp.ones((16,), jnp.float32)
        zeros_v[pl.ds(j * 16, 16)] = jnp.zeros((16,), jnp.float32)
    for jj in range(2):
        j = cid * 2 + jj
        pltpu.async_copy(emb_hbm.at[idx_v.at[j]], rows_v, sem).wait()
        pltpu.sync_copy(rows_v, zvq_hbm.at[pl.ds(tbase + j * GCH, GCH)])
    for j in range(4):
        pltpu.sync_copy(zeros_v, hist_sh.at[pl.ds(tbase + j * GCH, GCH)])
    plsc.subcore_barrier()
    for j in range(4):
        pltpu.sync_copy(ones_v, hist_sh.at[idx_v.at[j]], add=True)
    plsc.subcore_barrier()
    obase = cid * (K // 2) + sid * (K // NW)
    pltpu.sync_copy(hist_sh.at[pl.ds(obase, K // NW)],
                    counts_hbm.at[pl.ds(obase, K // NW)])


@functools.lru_cache(maxsize=1)
def _sc_gather_hist():
    return pl.kernel(
        _sc_gather_hist_body,
        mesh=plsc.VectorSubcoreMesh(core_axis_name="c", subcore_axis_name="s"),
        out_type=[
            jax.ShapeDtypeStruct((N, D), jnp.float32),
            jax.ShapeDtypeStruct((K,), jnp.float32),
        ],
        scratch_types=[
            pltpu.VMEM((4, GCH), jnp.int32),
            pltpu.VMEM((GCH, D), jnp.float32),
            pltpu.VMEM((GCH,), jnp.float32),
            pltpu.VMEM((GCH,), jnp.float32),
            pltpu.VMEM_SHARED((K,), jnp.float32),
            pltpu.SemaphoreType.DMA,
        ],
        compiler_params=pltpu.CompilerParams(use_tc_tiling_on_sc=False),
    )


def _perplexity_body(c_ref, out_ref):
    p = c_ref[...] * (1.0 / N)
    s = jnp.sum(p * jnp.log(p + 1e-10))
    out_ref[...] = jnp.exp(-s).reshape(1, 1)


_perplexity_call = pl.pallas_call(
    _perplexity_body,
    in_specs=[pl.BlockSpec((K // 128, 128), lambda: (0, 0))],
    out_specs=pl.BlockSpec((1, 1), lambda: (0, 0)),
    out_shape=jax.ShapeDtypeStruct((1, 1), jnp.float32),
)


def kernel(z, embedding):
    B, Dz, T = z.shape
    zf = jnp.transpose(z, (0, 2, 1)).reshape(-1, Dz)
    idx3, loss11 = _argmin_call(zf, embedding)
    idx = idx3.reshape(-1)
    zvq_flat, counts = _sc_gather_hist()(embedding, idx)
    perp11 = _perplexity_call(counts.reshape(K // 128, 128))
    z_vq = jnp.transpose(zvq_flat.reshape(B, T, Dz), (0, 2, 1))
    loss = loss11[0, 0]
    perp = perp11[0, 0]
    return (z_vq, loss, loss, perp)

# --- scband reference (transcript-rebuilt; emitter-appended) ---
"""Pipeline reference for scband-vector-quantizer-65377992180177 (READ-ONLY COPY).

The authoritative reference and input builder live on the scoring server;
editing this copy changes nothing except your own understanding.
"""

import jax, jax.numpy as jnp
import numpy as np

Z_NUM = 8192
Z_DIM = 32


def setup_inputs(seed: int = 0) -> dict:
    key = jax.random.key(seed)
    k1, k2 = jax.random.split(key)
    z = jax.random.normal(k1, (8, 32, 1024), dtype=jnp.float32)
    embedding = jax.random.normal(k2, (Z_NUM, Z_DIM), dtype=jnp.float32)
    return {"z": z, "embedding": embedding}


def reference(z, embedding):
    # training-mode forward, time_last=True, mask=None, time_reduction=False
    B, D, T = z.shape
    zf = jnp.transpose(z, (0, 2, 1)).reshape(-1, D)  # [N, D], N = B*T
    # no normalize -> z_norm = zf, embedding as-is
    distances = (
        jnp.sum(zf ** 2, axis=1, keepdims=True)
        + jnp.sum(embedding ** 2, axis=1)
        - 2.0 * jnp.matmul(zf, embedding.T)
    )  # [N, K]
    encoding_idx = jnp.argmin(distances, axis=1)  # [N]
    z_vq = jnp.take(embedding, encoding_idx, axis=0)  # gather [N, D]
    N = zf.shape[0]
    # one-hot scatter -> column sums == histogram of codes (K+1 slots, last unused w/o mask)
    counts = jnp.zeros(embedding.shape[0] + 1, dtype=jnp.float32).at[encoding_idx].add(1.0)
    avg_probs = counts[:-1] / N
    perplexity = jnp.exp(-jnp.sum(avg_probs * jnp.log(avg_probs + 1e-10)))
    z_qut_loss = jnp.sum((z_vq - jax.lax.stop_gradient(zf)) ** 2)
    z_enc_loss = jnp.sum((jax.lax.stop_gradient(z_vq) - zf) ** 2)
    # straight-through estimator
    z_vq = zf + jax.lax.stop_gradient(z_vq - zf)
    z_vq = z_vq.reshape(B, T, D)
    z_vq = jnp.transpose(z_vq, (0, 2, 1))  # back to [B, D, T]
    return (z_vq, z_qut_loss, z_enc_loss, perplexity)

if __name__ == "__main__":
    import jax
    _d = setup_inputs()
    print(jax.jit(kernel)(*tuple(_d.values())))

</pallas_src>

<mosaic_0001>
#map = affine_map<(d0, d1) -> (0, 0)>
#map1 = affine_map<(d0, d1) -> (0)>
module attributes {stable_mosaic.version = 14 : i64} {
  func.func @_sc_gather_hist_body(%arg0: i32, %arg1: i32, %arg2: memref<8192x32xf32, #tpu.memory_space<hbm>>, %arg3: memref<8192xi32, #tpu.memory_space<hbm>>, %arg4: memref<8192x32xf32, #tpu.memory_space<hbm>>, %arg5: memref<8192xf32, #tpu.memory_space<hbm>>, %arg6: memref<4x128xi32, #tpu.memory_space<vmem>>, %arg7: memref<128x32xf32, #tpu.memory_space<vmem>>, %arg8: memref<128xf32, #tpu.memory_space<vmem>>, %arg9: memref<128xf32, #tpu.memory_space<vmem>>, %arg10: memref<8192xf32, #tpu.memory_space<vmem_shared>>, %arg11: memref<!tpu.dma_semaphore, #tpu.memory_space<semaphore_mem>>) attributes {dimension_semantics = [#tpu.dimension_semantics<core_parallel>, #tpu.dimension_semantics<subcore_parallel>], iteration_bounds = array<i64: 2, 16>, scalar_prefetch = 0 : i64, scratch_operands = 6 : i64, tpu.core_type = #tpu.core_type<sc_vector_subcore>, window_params = [{transform_indices = #map}, {transform_indices = #map1}, {transform_indices = #map}, {transform_indices = #map1}]} {
    %mul3A = arith.constant 512 : i32
    %mul3A_0 = arith.muli %arg1, %mul3A : i32
    %add3A = arith.constant 0 : i32
    %add3A_1 = arith.addi %mul3A_0, %add3A : i32
    %run_scoped3A = arith.constant 0 : i32
    "tpu.region"() ({
      %run_scoped3A_159 = tpu.sem_alloc : memref<!tpu.dma_semaphore, #tpu.memory_space<semaphore_mem>>
      %dma_start3A_160 = arith.constant 0 : i32
      %dma_start3A_161 = tpu.memref_slice %arg6[%run_scoped3A, %dma_start3A_160] : memref<4x128xi32, #tpu.memory_space<vmem>> -> memref<1x128xi32, #tpu.memory_space<vmem>>
      %dma_start3A_162 = tpu.memref_squeeze %dma_start3A_161 : memref<1x128xi32, #tpu.memory_space<vmem>> -> memref<128xi32, #tpu.memory_space<vmem>>
      %dma_start3A_163 = tpu.memref_slice %arg3[%add3A_1] : memref<8192xi32, #tpu.memory_space<hbm>> -> memref<128xi32, #tpu.memory_space<hbm>>
      %dma_start3A_164 = arith.constant 0 : i32
      %dma_start3A_165 = tpu.memref_slice %arg6[%run_scoped3A, %dma_start3A_164] : memref<4x128xi32, #tpu.memory_space<vmem>> -> memref<1x128xi32, #tpu.memory_space<vmem>>
      %dma_start3A_166 = tpu.memref_squeeze %dma_start3A_165 : memref<1x128xi32, #tpu.memory_space<vmem>> -> memref<128xi32, #tpu.memory_space<vmem>>
      %dma_start3A_167 = tpu.memref_slice %arg3[%add3A_1] : memref<8192xi32, #tpu.memory_space<hbm>> -> memref<128xi32, #tpu.memory_space<hbm>>
      tpu.enqueue_dma source(%dma_start3A_167 : memref<128xi32, #tpu.memory_space<hbm>>) target(%dma_start3A_166 : memref<128xi32, #tpu.memory_space<vmem>>) target_semaphore(%run_scoped3A_159 : memref<!tpu.dma_semaphore, #tpu.memory_space<semaphore_mem>>)
      %dma_wait3A_168 = arith.constant 0 : i32
      %dma_wait3A_169 = tpu.memref_slice %arg6[%run_scoped3A, %dma_wait3A_168] : memref<4x128xi32, #tpu.memory_space<vmem>> -> memref<1x128xi32, #tpu.memory_space<vmem>>
      %dma_wait3A_170 = tpu.memref_squeeze %dma_wait3A_169 : memref<1x128xi32, #tpu.memory_space<vmem>> -> memref<128xi32, #tpu.memory_space<vmem>>
      %dma_wait3A_171 = tpu.memref_slice %arg3[%add3A_1] : memref<8192xi32, #tpu.memory_space<hbm>> -> memref<128xi32, #tpu.memory_space<hbm>>
      %dma_wait3A_172 = arith.constant 0 : i32
      %dma_wait3A_173 = tpu.memref_slice %arg6[%run_scoped3A, %dma_wait3A_172] : memref<4x128xi32, #tpu.memory_space<vmem>> -> memref<1x128xi32, #tpu.memory_space<vmem>>
      %dma_wait3A_174 = tpu.memref_squeeze %dma_wait3A_173 : memref<1x128xi32, #tpu.memory_space<vmem>> -> memref<128xi32, #tpu.memory_space<vmem>>
      %dma_wait3A_175 = tpu.memref_slice %arg3[%add3A_1] : memref<8192xi32, #tpu.memory_space<hbm>> -> memref<128xi32, #tpu.memory_space<hbm>>
      tpu.wait_dma2 semaphore(%run_scoped3A_159 : memref<!tpu.dma_semaphore, #tpu.memory_space<semaphore_mem>>) src(%dma_wait3A_175 : memref<128xi32, #tpu.memory_space<hbm>>) dst(%dma_wait3A_174 : memref<128xi32, #tpu.memory_space<vmem>>)
      tpu.yield
    }) : () -> ()
    %add3A_2 = arith.constant 128 : i32
    %add3A_3 = arith.addi %mul3A_0, %add3A_2 : i32
    %run_scoped3A_4 = arith.constant 1 : i32
    "tpu.region"() ({
      %run_scoped3A_159 = tpu.sem_alloc : memref<!tpu.dma_semaphore, #tpu.memory_space<semaphore_mem>>
      %dma_start3A_160 = arith.constant 0 : i32
      %dma_start3A_161 = tpu.memref_slice %arg6[%run_scoped3A_4, %dma_start3A_160] : memref<4x128xi32, #tpu.memory_space<vmem>> -> memref<1x128xi32, #tpu.memory_space<vmem>>
      %dma_start3A_162 = tpu.memref_squeeze %dma_start3A_161 : memref<1x128xi32, #tpu.memory_space<vmem>> -> memref<128xi32, #tpu.memory_space<vmem>>
      %dma_start3A_163 = tpu.memref_slice %arg3[%add3A_3] : memref<8192xi32, #tpu.memory_space<hbm>> -> memref<128xi32, #tpu.memory_space<hbm>>
      %dma_start3A_164 = arith.constant 0 : i32
      %dma_start3A_165 = tpu.memref_slice %arg6[%run_scoped3A_4, %dma_start3A_164] : memref<4x128xi32, #tpu.memory_space<vmem>> -> memref<1x128xi32, #tpu.memory_space<vmem>>
      %dma_start3A_166 = tpu.memref_squeeze %dma_start3A_165 : memref<1x128xi32, #tpu.memory_space<vmem>> -> memref<128xi32, #tpu.memory_space<vmem>>
      %dma_start3A_167 = tpu.memref_slice %arg3[%add3A_3] : memref<8192xi32, #tpu.memory_space<hbm>> -> memref<128xi32, #tpu.memory_space<hbm>>
      tpu.enqueue_dma source(%dma_start3A_167 : memref<128xi32, #tpu.memory_space<hbm>>) target(%dma_start3A_166 : memref<128xi32, #tpu.memory_space<vmem>>) target_semaphore(%run_scoped3A_159 : memref<!tpu.dma_semaphore, #tpu.memory_space<semaphore_mem>>)
      %dma_wait3A_168 = arith.constant 0 : i32
      %dma_wait3A_169 = tpu.memref_slice %arg6[%run_scoped3A_4, %dma_wait3A_168] : memref<4x128xi32, #tpu.memory_space<vmem>> -> memref<1x128xi32, #tpu.memory_space<vmem>>
      %dma_wait3A_170 = tpu.memref_squeeze %dma_wait3A_169 : memref<1x128xi32, #tpu.memory_space<vmem>> -> memref<128xi32, #tpu.memory_space<vmem>>
      %dma_wait3A_171 = tpu.memref_slice %arg3[%add3A_3] : memref<8192xi32, #tpu.memory_space<hbm>> -> memref<128xi32, #tpu.memory_space<hbm>>
      %dma_wait3A_172 = arith.constant 0 : i32
      %dma_wait3A_173 = tpu.memref_slice %arg6[%run_scoped3A_4, %dma_wait3A_172] : memref<4x128xi32, #tpu.memory_space<vmem>> -> memref<1x128xi32, #tpu.memory_space<vmem>>
      %dma_wait3A_174 = tpu.memref_squeeze %dma_wait3A_173 : memref<1x128xi32, #tpu.memory_space<vmem>> -> memref<128xi32, #tpu.memory_space<vmem>>
      %dma_wait3A_175 = tpu.memref_slice %arg3[%add3A_3] : memref<8192xi32, #tpu.memory_space<hbm>> -> memref<128xi32, #tpu.memory_space<hbm>>
      tpu.wait_dma2 semaphore(%run_scoped3A_159 : memref<!tpu.dma_semaphore, #tpu.memory_space<semaphore_mem>>) src(%dma_wait3A_175 : memref<128xi32, #tpu.memory_space<hbm>>) dst(%dma_wait3A_174 : memref<128xi32, #tpu.memory_space<vmem>>)
      tpu.yield
    }) : () -> ()
    %add3A_5 = arith.constant 256 : i32
    %add3A_6 = arith.addi %mul3A_0, %add3A_5 : i32
    %run_scoped3A_7 = arith.constant 2 : i32
    "tpu.region"() ({
      %run_scoped3A_159 = tpu.sem_alloc : memref<!tpu.dma_semaphore, #tpu.memory_space<semaphore_mem>>
      %dma_start3A_160 = arith.constant 0 : i32
      %dma_start3A_161 = tpu.memref_slice %arg6[%run_scoped3A_7, %dma_start3A_160] : memref<4x128xi32, #tpu.memory_space<vmem>> -> memref<1x128xi32, #tpu.memory_space<vmem>>
      %dma_start3A_162 = tpu.memref_squeeze %dma_start3A_161 : memref<1x128xi32, #tpu.memory_space<vmem>> -> memref<128xi32, #tpu.memory_space<vmem>>
      %dma_start3A_163 = tpu.memref_slice %arg3[%add3A_6] : memref<8192xi32, #tpu.memory_space<hbm>> -> memref<128xi32, #tpu.memory_space<hbm>>
      %dma_start3A_164 = arith.constant 0 : i32
      %dma_start3A_165 = tpu.memref_slice %arg6[%run_scoped3A_7, %dma_start3A_164] : memref<4x128xi32, #tpu.memory_space<vmem>> -> memref<1x128xi32, #tpu.memory_space<vmem>>
      %dma_start3A_166 = tpu.memref_squeeze %dma_start3A_165 : memref<1x128xi32, #tpu.memory_space<vmem>> -> memref<128xi32, #tpu.memory_space<vmem>>
      %dma_start3A_167 = tpu.memref_slice %arg3[%add3A_6] : memref<8192xi32, #tpu.memory_space<hbm>> -> memref<128xi32, #tpu.memory_space<hbm>>
      tpu.enqueue_dma source(%dma_start3A_167 : memref<128xi32, #tpu.memory_space<hbm>>) target(%dma_start3A_166 : memref<128xi32, #tpu.memory_space<vmem>>) target_semaphore(%run_scoped3A_159 : memref<!tpu.dma_semaphore, #tpu.memory_space<semaphore_mem>>)
      %dma_wait3A_168 = arith.constant 0 : i32
      %dma_wait3A_169 = tpu.memref_slice %arg6[%run_scoped3A_7, %dma_wait3A_168] : memref<4x128xi32, #tpu.memory_space<vmem>> -> memref<1x128xi32, #tpu.memory_space<vmem>>
      %dma_wait3A_170 = tpu.memref_squeeze %dma_wait3A_169 : memref<1x128xi32, #tpu.memory_space<vmem>> -> memref<128xi32, #tpu.memory_space<vmem>>
      %dma_wait3A_171 = tpu.memref_slice %arg3[%add3A_6] : memref<8192xi32, #tpu.memory_space<hbm>> -> memref<128xi32, #tpu.memory_space<hbm>>
      %dma_wait3A_172 = arith.constant 0 : i32
      %dma_wait3A_173 = tpu.memref_slice %arg6[%run_scoped3A_7, %dma_wait3A_172] : memref<4x128xi32, #tpu.memory_space<vmem>> -> memref<1x128xi32, #tpu.memory_space<vmem>>
      %dma_wait3A_174 = tpu.memref_squeeze %dma_wait3A_173 : memref<1x128xi32, #tpu.memory_space<vmem>> -> memref<128xi32, #tpu.memory_space<vmem>>
      %dma_wait3A_175 = tpu.memref_slice %arg3[%add3A_6] : memref<8192xi32, #tpu.memory_space<hbm>> -> memref<128xi32, #tpu.memory_space<hbm>>
      tpu.wait_dma2 semaphore(%run_scoped3A_159 : memref<!tpu.dma_semaphore, #tpu.memory_space<semaphore_mem>>) src(%dma_wait3A_175 : memref<128xi32, #tpu.memory_space<hbm>>) dst(%dma_wait3A_174 : memref<128xi32, #tpu.memory_space<vmem>>)
      tpu.yield
    }) : () -> ()
    %add3A_8 = arith.constant 384 : i32
    %add3A_9 = arith.addi %mul3A_0, %add3A_8 : i32
    %run_scoped3A_10 = arith.constant 3 : i32
    "tpu.region"() ({
      %run_scoped3A_159 = tpu.sem_alloc : memref<!tpu.dma_semaphore, #tpu.memory_space<semaphore_mem>>
      %dma_start3A_160 = arith.constant 0 : i32
      %dma_start3A_161 = tpu.memref_slice %arg6[%run_scoped3A_10, %dma_start3A_160] : memref<4x128xi32, #tpu.memory_space<vmem>> -> memref<1x128xi32, #tpu.memory_space<vmem>>
      %dma_start3A_162 = tpu.memref_squeeze %dma_start3A_161 : memref<1x128xi32, #tpu.memory_space<vmem>> -> memref<128xi32, #tpu.memory_space<vmem>>
      %dma_start3A_163 = tpu.memref_slice %arg3[%add3A_9] : memref<8192xi32, #tpu.memory_space<hbm>> -> memref<128xi32, #tpu.memory_space<hbm>>
      %dma_start3A_164 = arith.constant 0 : i32
      %dma_start3A_165 = tpu.memref_slice %arg6[%run_scoped3A_10, %dma_start3A_164] : memref<4x128xi32, #tpu.memory_space<vmem>> -> memref<1x128xi32, #tpu.memory_space<vmem>>
      %dma_start3A_166 = tpu.memref_squeeze %dma_start3A_165 : memref<1x128xi32, #tpu.memory_space<vmem>> -> memref<128xi32, #tpu.memory_space<vmem>>
      %dma_start3A_167 = tpu.memref_slice %arg3[%add3A_9] : memref<8192xi32, #tpu.memory_space<hbm>> -> memref<128xi32, #tpu.memory_space<hbm>>
      tpu.enqueue_dma source(%dma_start3A_167 : memref<128xi32, #tpu.memory_space<hbm>>) target(%dma_start3A_166 : memref<128xi32, #tpu.memory_space<vmem>>) target_semaphore(%run_scoped3A_159 : memref<!tpu.dma_semaphore, #tpu.memory_space<semaphore_mem>>)
      %dma_wait3A_168 = arith.constant 0 : i32
      %dma_wait3A_169 = tpu.memref_slice %arg6[%run_scoped3A_10, %dma_wait3A_168] : memref<4x128xi32, #tpu.memory_space<vmem>> -> memref<1x128xi32, #tpu.memory_space<vmem>>
      %dma_wait3A_170 = tpu.memref_squeeze %dma_wait3A_169 : memref<1x128xi32, #tpu.memory_space<vmem>> -> memref<128xi32, #tpu.memory_space<vmem>>
      %dma_wait3A_171 = tpu.memref_slice %arg3[%add3A_9] : memref<8192xi32, #tpu.memory_space<hbm>> -> memref<128xi32, #tpu.memory_space<hbm>>
      %dma_wait3A_172 = arith.constant 0 : i32
      %dma_wait3A_173 = tpu.memref_slice %arg6[%run_scoped3A_10, %dma_wait3A_172] : memref<4x128xi32, #tpu.memory_space<vmem>> -> memref<1x128xi32, #tpu.memory_space<vmem>>
      %dma_wait3A_174 = tpu.memref_squeeze %dma_wait3A_173 : memref<1x128xi32, #tpu.memory_space<vmem>> -> memref<128xi32, #tpu.memory_space<vmem>>
      %dma_wait3A_175 = tpu.memref_slice %arg3[%add3A_9] : memref<8192xi32, #tpu.memory_space<hbm>> -> memref<128xi32, #tpu.memory_space<hbm>>
      tpu.wait_dma2 semaphore(%run_scoped3A_159 : memref<!tpu.dma_semaphore, #tpu.memory_space<semaphore_mem>>) src(%dma_wait3A_175 : memref<128xi32, #tpu.memory_space<hbm>>) dst(%dma_wait3A_174 : memref<128xi32, #tpu.memory_space<vmem>>)
      tpu.yield
    }) : () -> ()
    %broadcast_in_dim3A = arith.constant 1.000000e+00 : f32
    %broadcast_in_dim3A_11 = vector.broadcast %broadcast_in_dim3A : f32 to vector<16xf32>
    %swap3A = arith.constant 0 : index
    %swap3A_12 = tpu.vector_load %arg8[%swap3A] {strides = array<i32>} : memref<128xf32, #tpu.memory_space<vmem>>, vector<16xf32>,
    %swap3A_13 = vector.shape_cast %swap3A_12 : vector<16xf32> to vector<16xf32>
    %swap3A_14 = vector.shape_cast %broadcast_in_dim3A_11 : vector<16xf32> to vector<16xf32>
    tpu.vector_store %arg8[%swap3A], %swap3A_14 {strides = array<i32>} : memref<128xf32, #tpu.memory_space<vmem>>, vector<16xf32>,
    %broadcast_in_dim3A_15 = arith.constant 0.000000e+00 : f32
    %broadcast_in_dim3A_16 = vector.broadcast %broadcast_in_dim3A_15 : f32 to vector<16xf32>
    %swap3A_17 = arith.constant 0 : index
    %swap3A_18 = tpu.vector_load %arg9[%swap3A_17] {strides = array<i32>} : memref<128xf32, #tpu.memory_space<vmem>>, vector<16xf32>,
    %swap3A_19 = vector.shape_cast %swap3A_18 : vector<16xf32> to vector<16xf32>
    %swap3A_20 = vector.shape_cast %broadcast_in_dim3A_16 : vector<16xf32> to vector<16xf32>
    tpu.vector_store %arg9[%swap3A_17], %swap3A_20 {strides = array<i32>} : memref<128xf32, #tpu.memory_space<vmem>>, vector<16xf32>,
    %broadcast_in_dim3A_21 = arith.constant 1.000000e+00 : f32
    %broadcast_in_dim3A_22 = vector.broadcast %broadcast_in_dim3A_21 : f32 to vector<16xf32>
    %swap3A_23 = arith.constant 16 : index
    %swap3A_24 = tpu.vector_load %arg8[%swap3A_23] {strides = array<i32>} : memref<128xf32, #tpu.memory_space<vmem>>, vector<16xf32>,
    %swap3A_25 = vector.shape_cast %swap3A_24 : vector<16xf32> to vector<16xf32>
    %swap3A_26 = vector.shape_cast %broadcast_in_dim3A_22 : vector<16xf32> to vector<16xf32>
    tpu.vector_store %arg8[%swap3A_23], %swap3A_26 {strides = array<i32>} : memref<128xf32, #tpu.memory_space<vmem>>, vector<16xf32>,
    %broadcast_in_dim3A_27 = arith.constant 0.000000e+00 : f32
    %broadcast_in_dim3A_28 = vector.broadcast %broadcast_in_dim3A_27 : f32 to vector<16xf32>
    %swap3A_29 = arith.constant 16 : index
    %swap3A_30 = tpu.vector_load %arg9[%swap3A_29] {strides = array<i32>} : memref<128xf32, #tpu.memory_space<vmem>>, vector<16xf32>,
    %swap3A_31 = vector.shape_cast %swap3A_30 : vector<16xf32> to vector<16xf32>
    %swap3A_32 = vector.shape_cast %broadcast_in_dim3A_28 : vector<16xf32> to vector<16xf32>
    tpu.vector_store %arg9[%swap3A_29], %swap3A_32 {strides = array<i32>} : memref<128xf32, #tpu.memory_space<vmem>>, vector<16xf32>,
    %broadcast_in_dim3A_33 = arith.constant 1.000000e+00 : f32
    %broadcast_in_dim3A_34 = vector.broadcast %broadcast_in_dim3A_33 : f32 to vector<16xf32>
    %swap3A_35 = arith.constant 32 : index
    %swap3A_36 = tpu.vector_load %arg8[%swap3A_35] {strides = array<i32>} : memref<128xf32, #tpu.memory_space<vmem>>, vector<16xf32>,
    %swap3A_37 = vector.shape_cast %swap3A_36 : vector<16xf32> to vector<16xf32>
    %swap3A_38 = vector.shape_cast %broadcast_in_dim3A_34 : vector<16xf32> to vector<16xf32>
    tpu.vector_store %arg8[%swap3A_35], %swap3A_38 {strides = array<i32>} : memref<128xf32, #tpu.memory_space<vmem>>, vector<16xf32>,
    %broadcast_in_dim3A_39 = arith.constant 0.000000e+00 : f32
    %broadcast_in_dim3A_40 = vector.broadcast %broadcast_in_dim3A_39 : f32 to vector<16xf32>
    %swap3A_41 = arith.constant 32 : index
    %swap3A_42 = tpu.vector_load %arg9[%swap3A_41] {strides = array<i32>} : memref<128xf32, #tpu.memory_space<vmem>>, vector<16xf32>,
    %swap3A_43 = vector.shape_cast %swap3A_42 : vector<16xf32> to vector<16xf32>
    %swap3A_44 = vector.shape_cast %broadcast_in_dim3A_40 : vector<16xf32> to vector<16xf32>
    tpu.vector_store %arg9[%swap3A_41], %swap3A_44 {strides = array<i32>} : memref<128xf32, #tpu.memory_space<vmem>>, vector<16xf32>,
    %broadcast_in_dim3A_45 = arith.constant 1.000000e+00 : f32
    %broadcast_in_dim3A_46 = vector.broadcast %broadcast_in_dim3A_45 : f32 to vector<16xf32>
    %swap3A_47 = arith.constant 48 : index
    %swap3A_48 = tpu.vector_load %arg8[%swap3A_47] {strides = array<i32>} : memref<128xf32, #tpu.memory_space<vmem>>, vector<16xf32>,
    %swap3A_49 = vector.shape_cast %swap3A_48 : vector<16xf32> to vector<16xf32>
    %swap3A_50 = vector.shape_cast %broadcast_in_dim3A_46 : vector<16xf32> to vector<16xf32>
    tpu.vector_store %arg8[%swap3A_47], %swap3A_50 {strides = array<i32>} : memref<128xf32, #tpu.memory_space<vmem>>, vector<16xf32>,
    %broadcast_in_dim3A_51 = arith.constant 0.000000e+00 : f32
    %broadcast_in_dim3A_52 = vector.broadcast %broadcast_in_dim3A_51 : f32 to vector<16xf32>
    %swap3A_53 = arith.constant 48 : index
    %swap3A_54 = tpu.vector_load %arg9[%swap3A_53] {strides = array<i32>} : memref<128xf32, #tpu.memory_space<vmem>>, vector<16xf32>,
    %swap3A_55 = vector.shape_cast %swap3A_54 : vector<16xf32> to vector<16xf32>
    %swap3A_56 = vector.shape_cast %broadcast_in_dim3A_52 : vector<16xf32> to vector<16xf32>
    tpu.vector_store %arg9[%swap3A_53], %swap3A_56 {strides = array<i32>} : memref<128xf32, #tpu.memory_space<vmem>>, vector<16xf32>,
    %broadcast_in_dim3A_57 = arith.constant 1.000000e+00 : f32
    %broadcast_in_dim3A_58 = vector.broadcast %broadcast_in_dim3A_57 : f32 to vector<16xf32>
    %swap3A_59 = arith.constant 64 : index
    %swap3A_60 = tpu.vector_load %arg8[%swap3A_59] {strides = array<i32>} : memref<128xf32, #tpu.memory_space<vmem>>, vector<16xf32>,
    %swap3A_61 = vector.shape_cast %swap3A_60 : vector<16xf32> to vector<16xf32>
    %swap3A_62 = vector.shape_cast %broadcast_in_dim3A_58 : vector<16xf32> to vector<16xf32>
    tpu.vector_store %arg8[%swap3A_59], %swap3A_62 {strides = array<i32>} : memref<128xf32, #tpu.memory_space<vmem>>, vector<16xf32>,
    %broadcast_in_dim3A_63 = arith.constant 0.000000e+00 : f32
    %broadcast_in_dim3A_64 = vector.broadcast %broadcast_in_dim3A_63 : f32 to vector<16xf32>
    %swap3A_65 = arith.constant 64 : index
    %swap3A_66 = tpu.vector_load %arg9[%swap3A_65] {strides = array<i32>} : memref<128xf32, #tpu.memory_space<vmem>>, vector<16xf32>,
    %swap3A_67 = vector.shape_cast %swap3A_66 : vector<16xf32> to vector<16xf32>
    %swap3A_68 = vector.shape_cast %broadcast_in_dim3A_64 : vector<16xf32> to vector<16xf32>
    tpu.vector_store %arg9[%swap3A_65], %swap3A_68 {strides = array<i32>} : memref<128xf32, #tpu.memory_space<vmem>>, vector<16xf32>,
    %broadcast_in_dim3A_69 = arith.constant 1.000000e+00 : f32
    %broadcast_in_dim3A_70 = vector.broadcast %broadcast_in_dim3A_69 : f32 to vector<16xf32>
    %swap3A_71 = arith.constant 80 : index
    %swap3A_72 = tpu.vector_load %arg8[%swap3A_71] {strides = array<i32>} : memref<128xf32, #tpu.memory_space<vmem>>, vector<16xf32>,
    %swap3A_73 = vector.shape_cast %swap3A_72 : vector<16xf32> to vector<16xf32>
    %swap3A_74 = vector.shape_cast %broadcast_in_dim3A_70 : vector<16xf32> to vector<16xf32>
    tpu.vector_store %arg8[%swap3A_71], %swap3A_74 {strides = array<i32>} : memref<128xf32, #tpu.memory_space<vmem>>, vector<16xf32>,
    %broadcast_in_dim3A_75 = arith.constant 0.000000e+00 : f32
    %broadcast_in_dim3A_76 = vector.broadcast %broadcast_in_dim3A_75 : f32 to vector<16xf32>
    %swap3A_77 = arith.constant 80 : index
    %swap3A_78 = tpu.vector_load %arg9[%swap3A_77] {strides = array<i32>} : memref<128xf32, #tpu.memory_space<vmem>>, vector<16xf32>,
    %swap3A_79 = vector.shape_cast %swap3A_78 : vector<16xf32> to vector<16xf32>
    %swap3A_80 = vector.shape_cast %broadcast_in_dim3A_76 : vector<16xf32> to vector<16xf32>
    tpu.vector_store %arg9[%swap3A_77], %swap3A_80 {strides = array<i32>} : memref<128xf32, #tpu.memory_space<vmem>>, vector<16xf32>,
    %broadcast_in_dim3A_81 = arith.constant 1.000000e+00 : f32
    %broadcast_in_dim3A_82 = vector.broadcast %broadcast_in_dim3A_81 : f32 to vector<16xf32>
    %swap3A_83 = arith.constant 96 : index
    %swap3A_84 = tpu.vector_load %arg8[%swap3A_83] {strides = array<i32>} : memref<128xf32, #tpu.memory_space<vmem>>, vector<16xf32>,
    %swap3A_85 = vector.shape_cast %swap3A_84 : vector<16xf32> to vector<16xf32>
    %swap3A_86 = vector.shape_cast %broadcast_in_dim3A_82 : vector<16xf32> to vector<16xf32>
    tpu.vector_store %arg8[%swap3A_83], %swap3A_86 {strides = array<i32>} : memref<128xf32, #tpu.memory_space<vmem>>, vector<16xf32>,
    %broadcast_in_dim3A_87 = arith.constant 0.000000e+00 : f32
    %broadcast_in_dim3A_88 = vector.broadcast %broadcast_in_dim3A_87 : f32 to vector<16xf32>
    %swap3A_89 = arith.constant 96 : index
    %swap3A_90 = tpu.vector_load %arg9[%swap3A_89] {strides = array<i32>} : memref<128xf32, #tpu.memory_space<vmem>>, vector<16xf32>,
    %swap3A_91 = vector.shape_cast %swap3A_90 : vector<16xf32> to vector<16xf32>
    %swap3A_92 = vector.shape_cast %broadcast_in_dim3A_88 : vector<16xf32> to vector<16xf32>
    tpu.vector_store %arg9[%swap3A_89], %swap3A_92 {strides = array<i32>} : memref<128xf32, #tpu.memory_space<vmem>>, vector<16xf32>,
    %broadcast_in_dim3A_93 = arith.constant 1.000000e+00 : f32
    %broadcast_in_dim3A_94 = vector.broadcast %broadcast_in_dim3A_93 : f32 to vector<16xf32>
    %swap3A_95 = arith.constant 112 : index
    %swap3A_96 = tpu.vector_load %arg8[%swap3A_95] {strides = array<i32>} : memref<128xf32, #tpu.memory_space<vmem>>, vector<16xf32>,
    %swap3A_97 = vector.shape_cast %swap3A_96 : vector<16xf32> to vector<16xf32>
    %swap3A_98 = vector.shape_cast %broadcast_in_dim3A_94 : vector<16xf32> to vector<16xf32>
    tpu.vector_store %arg8[%swap3A_95], %swap3A_98 {strides = array<i32>} : memref<128xf32, #tpu.memory_space<vmem>>, vector<16xf32>,
    %broadcast_in_dim3A_99 = arith.constant 0.000000e+00 : f32
    %broadcast_in_dim3A_100 = vector.broadcast %broadcast_in_dim3A_99 : f32 to vector<16xf32>
    %swap3A_101 = arith.constant 112 : index
    %swap3A_102 = tpu.vector_load %arg9[%swap3A_101] {strides = array<i32>} : memref<128xf32, #tpu.memory_space<vmem>>, vector<16xf32>,
    %swap3A_103 = vector.shape_cast %swap3A_102 : vector<16xf32> to vector<16xf32>
    %swap3A_104 = vector.shape_cast %broadcast_in_dim3A_100 : vector<16xf32> to vector<16xf32>
    tpu.vector_store %arg9[%swap3A_101], %swap3A_104 {strides = array<i32>} : memref<128xf32, #tpu.memory_space<vmem>>, vector<16xf32>,
    %mul3A_105 = arith.constant 2 : i32
    %mul3A_106 = arith.muli %arg0, %mul3A_105 : i32
    %add3A_107 = arith.constant 0 : i32
    %add3A_108 = arith.addi %mul3A_106, %add3A_107 : i32
    %dma_start3A = arith.constant 0 : i32
    %dma_start3A_109 = tpu.memref_slice %arg6[%add3A_108, %dma_start3A] : memref<4x128xi32, #tpu.memory_space<vmem>> -> memref<1x128xi32, #tpu.memory_space<vmem>>
    %dma_start3A_110 = tpu.memref_squeeze %dma_start3A_109 : memref<1x128xi32, #tpu.memory_space<vmem>> -> memref<128xi32, #tpu.memory_space<vmem>>
    %dma_start3A_111 = arith.constant 0 : i32
    %dma_start3A_112 = arith.constant 0 : i32
    %dma_start3A_113 = tpu.memref_slice %arg2[%dma_start3A_111, %dma_start3A_112] : memref<8192x32xf32, #tpu.memory_space<hbm>> -> memref<8192x32xf32, #tpu.memory_space<hbm>>
    tpu.enqueue_indirect_dma source(%dma_start3A_113 : memref<8192x32xf32, #tpu.memory_space<hbm>>) target(%arg7 : memref<128x32xf32, #tpu.memory_space<vmem>>) offsets(%dma_start3A_110 : memref<128xi32, #tpu.memory_space<vmem>>) semaphore(%arg11 : memref<!tpu.dma_semaphore, #tpu.memory_space<semaphore_mem>>)
    %dma_wait3A = arith.constant 0 : i32
    %dma_wait3A_114 = tpu.memref_slice %arg6[%add3A_108, %dma_wait3A] : memref<4x128xi32, #tpu.memory_space<vmem>> -> memref<1x128xi32, #tpu.memory_space<vmem>>
    %dma_wait3A_115 = tpu.memref_squeeze %dma_wait3A_114 : memref<1x128xi32, #tpu.memory_space<vmem>> -> memref<128xi32, #tpu.memory_space<vmem>>
    %dma_wait3A_116 = arith.constant 0 : i32
    %dma_wait3A_117 = arith.constant 0 : i32
    %dma_wait3A_118 = tpu.memref_slice %arg2[%dma_wait3A_116, %dma_wait3A_117] : memref<8192x32xf32, #tpu.memory_space<hbm>> -> memref<8192x32xf32, #tpu.memory_space<hbm>>
    tpu.wait_indirect_dma semaphore(%arg11 : memref<!tpu.dma_semaphore, #tpu.memory_space<semaphore_mem>>) src(%dma_wait3A_118 : memref<8192x32xf32, #tpu.memory_space<hbm>>) dst(%arg7 : memref<128x32xf32, #tpu.memory_space<vmem>>)
    %mul3A_119 = arith.constant 128 : i32
    %mul3A_120 = arith.muli %add3A_108, %mul3A_119 : i32
    %add3A_121 = arith.addi %mul3A_0, %mul3A_120 : i32
    "tpu.region"() ({
      %run_scoped3A_159 = tpu.sem_alloc : memref<!tpu.dma_semaphore, #tpu.memory_space<semaphore_mem>>
      %dma_start3A_160 = arith.constant 0 : i32
      %dma_start3A_161 = tpu.memref_slice %arg4[%add3A_121, %dma_start3A_160] : memref<8192x32xf32, #tpu.memory_space<hbm>> -> memref<128x32xf32, #tpu.memory_space<hbm>>
      %dma_start3A_162 = arith.constant 0 : i32
      %dma_start3A_163 = tpu.memref_slice %arg4[%add3A_121, %dma_start3A_162] : memref<8192x32xf32, #tpu.memory_space<hbm>> -> memref<128x32xf32, #tpu.memory_space<hbm>>
      tpu.enqueue_dma source(%arg7 : memref<128x32xf32, #tpu.memory_space<vmem>>) target(%dma_start3A_163 : memref<128x32xf32, #tpu.memory_space<hbm>>) target_semaphore(%run_scoped3A_159 : memref<!tpu.dma_semaphore, #tpu.memory_space<semaphore_mem>>)
      %dma_wait3A_164 = arith.constant 0 : i32
      %dma_wait3A_165 = tpu.memref_slice %arg4[%add3A_121, %dma_wait3A_164] : memref<8192x32xf32, #tpu.memory_space<hbm>> -> memref<128x32xf32, #tpu.memory_space<hbm>>
      %dma_wait3A_166 = arith.constant 0 : i32
      %dma_wait3A_167 = tpu.memref_slice %arg4[%add3A_121, %dma_wait3A_166] : memref<8192x32xf32, #tpu.memory_space<hbm>> -> memref<128x32xf32, #tpu.memory_space<hbm>>
      tpu.wait_dma2 semaphore(%run_scoped3A_159 : memref<!tpu.dma_semaphore, #tpu.memory_space<semaphore_mem>>) src(%arg7 : memref<128x32xf32, #tpu.memory_space<vmem>>) dst(%dma_wait3A_167 : memref<128x32xf32, #tpu.memory_space<hbm>>)
      tpu.yield
    }) : () -> ()
    %mul3A_122 = arith.constant 2 : i32
    %mul3A_123 = arith.muli %arg0, %mul3A_122 : i32
    %add3A_124 = arith.constant 1 : i32
    %add3A_125 = arith.addi %mul3A_123, %add3A_124 : i32
    %dma_start3A_126 = arith.constant 0 : i32
    %dma_start3A_127 = tpu.memref_slice %arg6[%add3A_125, %dma_start3A_126] : memref<4x128xi32, #tpu.memory_space<vmem>> -> memref<1x128xi32, #tpu.memory_space<vmem>>
    %dma_start3A_128 = tpu.memref_squeeze %dma_start3A_127 : memref<1x128xi32, #tpu.memory_space<vmem>> -> memref<128xi32, #tpu.memory_space<vmem>>
    %dma_start3A_129 = arith.constant 0 : i32
    %dma_start3A_130 = arith.constant 0 : i32
    %dma_start3A_131 = tpu.memref_slice %arg2[%dma_start3A_129, %dma_start3A_130] : memref<8192x32xf32, #tpu.memory_space<hbm>> -> memref<8192x32xf32, #tpu.memory_space<hbm>>
    tpu.enqueue_indirect_dma source(%dma_start3A_131 : memref<8192x32xf32, #tpu.memory_space<hbm>>) target(%arg7 : memref<128x32xf32, #tpu.memory_space<vmem>>) offsets(%dma_start3A_128 : memref<128xi32, #tpu.memory_space<vmem>>) semaphore(%arg11 : memref<!tpu.dma_semaphore, #tpu.memory_space<semaphore_mem>>)
    %dma_wait3A_132 = arith.constant 0 : i32
    %dma_wait3A_133 = tpu.memref_slice %arg6[%add3A_125, %dma_wait3A_132] : memref<4x128xi32, #tpu.memory_space<vmem>> -> memref<1x128xi32, #tpu.memory_space<vmem>>
    %dma_wait3A_134 = tpu.memref_squeeze %dma_wait3A_133 : memref<1x128xi32, #tpu.memory_space<vmem>> -> memref<128xi32, #tpu.memory_space<vmem>>
    %dma_wait3A_135 = arith.constant 0 : i32
    %dma_wait3A_136 = arith.constant 0 : i32
    %dma_wait3A_137 = tpu.memref_slice %arg2[%dma_wait3A_135, %dma_wait3A_136] : memref<8192x32xf32, #tpu.memory_space<hbm>> -> memref<8192x32xf32, #tpu.memory_space<hbm>>
    tpu.wait_indirect_dma semaphore(%arg11 : memref<!tpu.dma_semaphore, #tpu.memory_space<semaphore_mem>>) src(%dma_wait3A_137 : memref<8192x32xf32, #tpu.memory_space<hbm>>) dst(%arg7 : memref<128x32xf32, #tpu.memory_space<vmem>>)
    %mul3A_138 = arith.constant 128 : i32
    %mul3A_139 = arith.muli %add3A_125, %mul3A_138 : i32
    %add3A_140 = arith.addi %mul3A_0, %mul3A_139 : i32
    "tpu.region"() ({
      %run_scoped3A_159 = tpu.sem_alloc : memref<!tpu.dma_semaphore, #tpu.memory_space<semaphore_mem>>
      %dma_start3A_160 = arith.constant 0 : i32
      %dma_start3A_161 = tpu.memref_slice %arg4[%add3A_140, %dma_start3A_160] : memref<8192x32xf32, #tpu.memory_space<hbm>> -> memref<128x32xf32, #tpu.memory_space<hbm>>
      %dma_start3A_162 = arith.constant 0 : i32
      %dma_start3A_163 = tpu.memref_slice %arg4[%add3A_140, %dma_start3A_162] : memref<8192x32xf32, #tpu.memory_space<hbm>> -> memref<128x32xf32, #tpu.memory_space<hbm>>
      tpu.enqueue_dma source(%arg7 : memref<128x32xf32, #tpu.memory_space<vmem>>) target(%dma_start3A_163 : memref<128x32xf32, #tpu.memory_space<hbm>>) target_semaphore(%run_scoped3A_159 : memref<!tpu.dma_semaphore, #tpu.memory_space<semaphore_mem>>)
      %dma_wait3A_164 = arith.constant 0 : i32
      %dma_wait3A_165 = tpu.memref_slice %arg4[%add3A_140, %dma_wait3A_164] : memref<8192x32xf32, #tpu.memory_space<hbm>> -> memref<128x32xf32, #tpu.memory_space<hbm>>
      %dma_wait3A_166 = arith.constant 0 : i32
      %dma_wait3A_167 = tpu.memref_slice %arg4[%add3A_140, %dma_wait3A_166] : memref<8192x32xf32, #tpu.memory_space<hbm>> -> memref<128x32xf32, #tpu.memory_space<hbm>>
      tpu.wait_dma2 semaphore(%run_scoped3A_159 : memref<!tpu.dma_semaphore, #tpu.memory_space<semaphore_mem>>) src(%arg7 : memref<128x32xf32, #tpu.memory_space<vmem>>) dst(%dma_wait3A_167 : memref<128x32xf32, #tpu.memory_space<hbm>>)
      tpu.yield
    }) : () -> ()
    %add3A_141 = arith.constant 0 : i32
    %add3A_142 = arith.addi %mul3A_0, %add3A_141 : i32
    "tpu.region"() ({
      %run_scoped3A_159 = tpu.sem_alloc : memref<!tpu.dma_semaphore, #tpu.memory_space<semaphore_mem>>
      %dma_start3A_160 = tpu.memref_slice %arg10[%add3A_142] : memref<8192xf32, #tpu.memory_space<vmem_shared>> -> memref<128xf32, #tpu.memory_space<vmem_shared>>
      %dma_start3A_161 = tpu.memref_slice %arg10[%add3A_142] : memref<8192xf32, #tpu.memory_space<vmem_shared>> -> memref<128xf32, #tpu.memory_space<vmem_shared>>
      tpu.enqueue_dma source(%arg9 : memref<128xf32, #tpu.memory_space<vmem>>) target(%dma_start3A_161 : memref<128xf32, #tpu.memory_space<vmem_shared>>) target_semaphore(%run_scoped3A_159 : memref<!tpu.dma_semaphore, #tpu.memory_space<semaphore_mem>>)
      %dma_wait3A_162 = tpu.memref_slice %arg10[%add3A_142] : memref<8192xf32, #tpu.memory_space<vmem_shared>> -> memref<128xf32, #tpu.memory_space<vmem_shared>>
      %dma_wait3A_163 = tpu.memref_slice %arg10[%add3A_142] : memref<8192xf32, #tpu.memory_space<vmem_shared>> -> memref<128xf32, #tpu.memory_space<vmem_shared>>
      tpu.wait_dma2 semaphore(%run_scoped3A_159 : memref<!tpu.dma_semaphore, #tpu.memory_space<semaphore_mem>>) src(%arg9 : memref<128xf32, #tpu.memory_space<vmem>>) dst(%dma_wait3A_163 : memref<128xf32, #tpu.memory_space<vmem_shared>>)
      tpu.yield
    }) : () -> ()
    %add3A_143 = arith.constant 128 : i32
    %add3A_144 = arith.addi %mul3A_0, %add3A_143 : i32
    "tpu.region"() ({
      %run_scoped3A_159 = tpu.sem_alloc : memref<!tpu.dma_semaphore, #tpu.memory_space<semaphore_mem>>
      %dma_start3A_160 = tpu.memref_slice %arg10[%add3A_144] : memref<8192xf32, #tpu.memory_space<vmem_shared>> -> memref<128xf32, #tpu.memory_space<vmem_shared>>
      %dma_start3A_161 = tpu.memref_slice %arg10[%add3A_144] : memref<8192xf32, #tpu.memory_space<vmem_shared>> -> memref<128xf32, #tpu.memory_space<vmem_shared>>
      tpu.enqueue_dma source(%arg9 : memref<128xf32, #tpu.memory_space<vmem>>) target(%dma_start3A_161 : memref<128xf32, #tpu.memory_space<vmem_shared>>) target_semaphore(%run_scoped3A_159 : memref<!tpu.dma_semaphore, #tpu.memory_space<semaphore_mem>>)
      %dma_wait3A_162 = tpu.memref_slice %arg10[%add3A_144] : memref<8192xf32, #tpu.memory_space<vmem_shared>> -> memref<128xf32, #tpu.memory_space<vmem_shared>>
      %dma_wait3A_163 = tpu.memref_slice %arg10[%add3A_144] : memref<8192xf32, #tpu.memory_space<vmem_shared>> -> memref<128xf32, #tpu.memory_space<vmem_shared>>
      tpu.wait_dma2 semaphore(%run_scoped3A_159 : memref<!tpu.dma_semaphore, #tpu.memory_space<semaphore_mem>>) src(%arg9 : memref<128xf32, #tpu.memory_space<vmem>>) dst(%dma_wait3A_163 : memref<128xf32, #tpu.memory_space<vmem_shared>>)
      tpu.yield
    }) : () -> ()
    %add3A_145 = arith.constant 256 : i32
    %add3A_146 = arith.addi %mul3A_0, %add3A_145 : i32
    "tpu.region"() ({
      %run_scoped3A_159 = tpu.sem_alloc : memref<!tpu.dma_semaphore, #tpu.memory_space<semaphore_mem>>
      %dma_start3A_160 = tpu.memref_slice %arg10[%add3A_146] : memref<8192xf32, #tpu.memory_space<vmem_shared>> -> memref<128xf32, #tpu.memory_space<vmem_shared>>
      %dma_start3A_161 = tpu.memref_slice %arg10[%add3A_146] : memref<8192xf32, #tpu.memory_space<vmem_shared>> -> memref<128xf32, #tpu.memory_space<vmem_shared>>
      tpu.enqueue_dma source(%arg9 : memref<128xf32, #tpu.memory_space<vmem>>) target(%dma_start3A_161 : memref<128xf32, #tpu.memory_space<vmem_shared>>) target_semaphore(%run_scoped3A_159 : memref<!tpu.dma_semaphore, #tpu.memory_space<semaphore_mem>>)
      %dma_wait3A_162 = tpu.memref_slice %arg10[%add3A_146] : memref<8192xf32, #tpu.memory_space<vmem_shared>> -> memref<128xf32, #tpu.memory_space<vmem_shared>>
      %dma_wait3A_163 = tpu.memref_slice %arg10[%add3A_146] : memref<8192xf32, #tpu.memory_space<vmem_shared>> -> memref<128xf32, #tpu.memory_space<vmem_shared>>
      tpu.wait_dma2 semaphore(%run_scoped3A_159 : memref<!tpu.dma_semaphore, #tpu.memory_space<semaphore_mem>>) src(%arg9 : memref<128xf32, #tpu.memory_space<vmem>>) dst(%dma_wait3A_163 : memref<128xf32, #tpu.memory_space<vmem_shared>>)
      tpu.yield
    }) : () -> ()
    %add3A_147 = arith.constant 384 : i32
    %add3A_148 = arith.addi %mul3A_0, %add3A_147 : i32
    "tpu.region"() ({
      %run_scoped3A_159 = tpu.sem_alloc : memref<!tpu.dma_semaphore, #tpu.memory_space<semaphore_mem>>
      %dma_start3A_160 = tpu.memref_slice %arg10[%add3A_148] : memref<8192xf32, #tpu.memory_space<vmem_shared>> -> memref<128xf32, #tpu.memory_space<vmem_shared>>
      %dma_start3A_161 = tpu.memref_slice %arg10[%add3A_148] : memref<8192xf32, #tpu.memory_space<vmem_shared>> -> memref<128xf32, #tpu.memory_space<vmem_shared>>
      tpu.enqueue_dma source(%arg9 : memref<128xf32, #tpu.memory_space<vmem>>) target(%dma_start3A_161 : memref<128xf32, #tpu.memory_space<vmem_shared>>) target_semaphore(%run_scoped3A_159 : memref<!tpu.dma_semaphore, #tpu.memory_space<semaphore_mem>>)
      %dma_wait3A_162 = tpu.memref_slice %arg10[%add3A_148] : memref<8192xf32, #tpu.memory_space<vmem_shared>> -> memref<128xf32, #tpu.memory_space<vmem_shared>>
      %dma_wait3A_163 = tpu.memref_slice %arg10[%add3A_148] : memref<8192xf32, #tpu.memory_space<vmem_shared>> -> memref<128xf32, #tpu.memory_space<vmem_shared>>
      tpu.wait_dma2 semaphore(%run_scoped3A_159 : memref<!tpu.dma_semaphore, #tpu.memory_space<semaphore_mem>>) src(%arg9 : memref<128xf32, #tpu.memory_space<vmem>>) dst(%dma_wait3A_163 : memref<128xf32, #tpu.memory_space<vmem_shared>>)
      tpu.yield
    }) : () -> ()
    %barrier3A = arith.constant 0 : index
    tpu.barrier barrier_id(%barrier3A)
    %run_scoped3A_149 = arith.constant 0 : i32
    "tpu.region"() ({
      %run_scoped3A_159 = tpu.sem_alloc : memref<!tpu.dma_semaphore, #tpu.memory_space<semaphore_mem>>
      %dma_start3A_160 = arith.constant 0 : i32
      %dma_start3A_161 = tpu.memref_slice %arg6[%run_scoped3A_149, %dma_start3A_160] : memref<4x128xi32, #tpu.memory_space<vmem>> -> memref<1x128xi32, #tpu.memory_space<vmem>>
      %dma_start3A_162 = tpu.memref_squeeze %dma_start3A_161 : memref<1x128xi32, #tpu.memory_space<vmem>> -> memref<128xi32, #tpu.memory_space<vmem>>
      %dma_start3A_163 = arith.constant 0 : i32
      %dma_start3A_164 = tpu.memref_slice %arg10[%dma_start3A_163] : memref<8192xf32, #tpu.memory_space<vmem_shared>> -> memref<8192xf32, #tpu.memory_space<vmem_shared>>
      tpu.enqueue_indirect_dma source(%arg8 : memref<128xf32, #tpu.memory_space<vmem>>) target(%dma_start3A_164 : memref<8192xf32, #tpu.memory_space<vmem_shared>>) offsets(%dma_start3A_162 : memref<128xi32, #tpu.memory_space<vmem>>) semaphore(%run_scoped3A_159 : memref<!tpu.dma_semaphore, #tpu.memory_space<semaphore_mem>>) {add = true}
      %dma_wait3A_165 = arith.constant 0 : i32
      %dma_wait3A_166 = tpu.memref_slice %arg6[%run_scoped3A_149, %dma_wait3A_165] : memref<4x128xi32, #tpu.memory_space<vmem>> -> memref<1x128xi32, #tpu.memory_space<vmem>>
      %dma_wait3A_167 = tpu.memref_squeeze %dma_wait3A_166 : memref<1x128xi32, #tpu.memory_space<vmem>> -> memref<128xi32, #tpu.memory_space<vmem>>
      %dma_wait3A_168 = arith.constant 0 : i32
      %dma_wait3A_169 = tpu.memref_slice %arg10[%dma_wait3A_168] : memref<8192xf32, #tpu.memory_space<vmem_shared>> -> memref<8192xf32, #tpu.memory_space<vmem_shared>>
      tpu.wait_indirect_dma semaphore(%run_scoped3A_159 : memref<!tpu.dma_semaphore, #tpu.memory_space<semaphore_mem>>) src(%arg8 : memref<128xf32, #tpu.memory_space<vmem>>) dst(%dma_wait3A_169 : memref<8192xf32, #tpu.memory_space<vmem_shared>>)
      tpu.yield
    }) : () -> ()
    %run_scoped3A_150 = arith.constant 1 : i32
    "tpu.region"() ({
      %run_scoped3A_159 = tpu.sem_alloc : memref<!tpu.dma_semaphore, #tpu.memory_space<semaphore_mem>>
      %dma_start3A_160 = arith.constant 0 : i32
      %dma_start3A_161 = tpu.memref_slice %arg6[%run_scoped3A_150, %dma_start3A_160] : memref<4x128xi32, #tpu.memory_space<vmem>> -> memref<1x128xi32, #tpu.memory_space<vmem>>
      %dma_start3A_162 = tpu.memref_squeeze %dma_start3A_161 : memref<1x128xi32, #tpu.memory_space<vmem>> -> memref<128xi32, #tpu.memory_space<vmem>>
      %dma_start3A_163 = arith.constant 0 : i32
      %dma_start3A_164 = tpu.memref_slice %arg10[%dma_start3A_163] : memref<8192xf32, #tpu.memory_space<vmem_shared>> -> memref<8192xf32, #tpu.memory_space<vmem_shared>>
      tpu.enqueue_indirect_dma source(%arg8 : memref<128xf32, #tpu.memory_space<vmem>>) target(%dma_start3A_164 : memref<8192xf32, #tpu.memory_space<vmem_shared>>) offsets(%dma_start3A_162 : memref<128xi32, #tpu.memory_space<vmem>>) semaphore(%run_scoped3A_159 : memref<!tpu.dma_semaphore, #tpu.memory_space<semaphore_mem>>) {add = true}
      %dma_wait3A_165 = arith.constant 0 : i32
      %dma_wait3A_166 = tpu.memref_slice %arg6[%run_scoped3A_150, %dma_wait3A_165] : memref<4x128xi32, #tpu.memory_space<vmem>> -> memref<1x128xi32, #tpu.memory_space<vmem>>
      %dma_wait3A_167 = tpu.memref_squeeze %dma_wait3A_166 : memref<1x128xi32, #tpu.memory_space<vmem>> -> memref<128xi32, #tpu.memory_space<vmem>>
      %dma_wait3A_168 = arith.constant 0 : i32
      %dma_wait3A_169 = tpu.memref_slice %arg10[%dma_wait3A_168] : memref<8192xf32, #tpu.memory_space<vmem_shared>> -> memref<8192xf32, #tpu.memory_space<vmem_shared>>
      tpu.wait_indirect_dma semaphore(%run_scoped3A_159 : memref<!tpu.dma_semaphore, #tpu.memory_space<semaphore_mem>>) src(%arg8 : memref<128xf32, #tpu.memory_space<vmem>>) dst(%dma_wait3A_169 : memref<8192xf32, #tpu.memory_space<vmem_shared>>)
      tpu.yield
    }) : () -> ()
    %run_scoped3A_151 = arith.constant 2 : i32
    "tpu.region"() ({
      %run_scoped3A_159 = tpu.sem_alloc : memref<!tpu.dma_semaphore, #tpu.memory_space<semaphore_mem>>
      %dma_start3A_160 = arith.constant 0 : i32
      %dma_start3A_161 = tpu.memref_slice %arg6[%run_scoped3A_151, %dma_start3A_160] : memref<4x128xi32, #tpu.memory_space<vmem>> -> memref<1x128xi32, #tpu.memory_space<vmem>>
      %dma_start3A_162 = tpu.memref_squeeze %dma_start3A_161 : memref<1x128xi32, #tpu.memory_space<vmem>> -> memref<128xi32, #tpu.memory_space<vmem>>
      %dma_start3A_163 = arith.constant 0 : i32
      %dma_start3A_164 = tpu.memref_slice %arg10[%dma_start3A_163] : memref<8192xf32, #tpu.memory_space<vmem_shared>> -> memref<8192xf32, #tpu.memory_space<vmem_shared>>
      tpu.enqueue_indirect_dma source(%arg8 : memref<128xf32, #tpu.memory_space<vmem>>) target(%dma_start3A_164 : memref<8192xf32, #tpu.memory_space<vmem_shared>>) offsets(%dma_start3A_162 : memref<128xi32, #tpu.memory_space<vmem>>) semaphore(%run_scoped3A_159 : memref<!tpu.dma_semaphore, #tpu.memory_space<semaphore_mem>>) {add = true}
      %dma_wait3A_165 = arith.constant 0 : i32
      %dma_wait3A_166 = tpu.memref_slice %arg6[%run_scoped3A_151, %dma_wait3A_165] : memref<4x128xi32, #tpu.memory_space<vmem>> -> memref<1x128xi32, #tpu.memory_space<vmem>>
      %dma_wait3A_167 = tpu.memref_squeeze %dma_wait3A_166 : memref<1x128xi32, #tpu.memory_space<vmem>> -> memref<128xi32, #tpu.memory_space<vmem>>
      %dma_wait3A_168 = arith.constant 0 : i32
      %dma_wait3A_169 = tpu.memref_slice %arg10[%dma_wait3A_168] : memref<8192xf32, #tpu.memory_space<vmem_shared>> -> memref<8192xf32, #tpu.memory_space<vmem_shared>>
      tpu.wait_indirect_dma semaphore(%run_scoped3A_159 : memref<!tpu.dma_semaphore, #tpu.memory_space<semaphore_mem>>) src(%arg8 : memref<128xf32, #tpu.memory_space<vmem>>) dst(%dma_wait3A_169 : memref<8192xf32, #tpu.memory_space<vmem_shared>>)
      tpu.yield
    }) : () -> ()
    %run_scoped3A_152 = arith.constant 3 : i32
    "tpu.region"() ({
      %run_scoped3A_159 = tpu.sem_alloc : memref<!tpu.dma_semaphore, #tpu.memory_space<semaphore_mem>>
      %dma_start3A_160 = arith.constant 0 : i32
      %dma_start3A_161 = tpu.memref_slice %arg6[%run_scoped3A_152, %dma_start3A_160] : memref<4x128xi32, #tpu.memory_space<vmem>> -> memref<1x128xi32, #tpu.memory_space<vmem>>
      %dma_start3A_162 = tpu.memref_squeeze %dma_start3A_161 : memref<1x128xi32, #tpu.memory_space<vmem>> -> memref<128xi32, #tpu.memory_space<vmem>>
      %dma_start3A_163 = arith.constant 0 : i32
      %dma_start3A_164 = tpu.memref_slice %arg10[%dma_start3A_163] : memref<8192xf32, #tpu.memory_space<vmem_shared>> -> memref<8192xf32, #tpu.memory_space<vmem_shared>>
      tpu.enqueue_indirect_dma source(%arg8 : memref<128xf32, #tpu.memory_space<vmem>>) target(%dma_start3A_164 : memref<8192xf32, #tpu.memory_space<vmem_shared>>) offsets(%dma_start3A_162 : memref<128xi32, #tpu.memory_space<vmem>>) semaphore(%run_scoped3A_159 : memref<!tpu.dma_semaphore, #tpu.memory_space<semaphore_mem>>) {add = true}
      %dma_wait3A_165 = arith.constant 0 : i32
      %dma_wait3A_166 = tpu.memref_slice %arg6[%run_scoped3A_152, %dma_wait3A_165] : memref<4x128xi32, #tpu.memory_space<vmem>> -> memref<1x128xi32, #tpu.memory_space<vmem>>
      %dma_wait3A_167 = tpu.memref_squeeze %dma_wait3A_166 : memref<1x128xi32, #tpu.memory_space<vmem>> -> memref<128xi32, #tpu.memory_space<vmem>>
      %dma_wait3A_168 = arith.constant 0 : i32
      %dma_wait3A_169 = tpu.memref_slice %arg10[%dma_wait3A_168] : memref<8192xf32, #tpu.memory_space<vmem_shared>> -> memref<8192xf32, #tpu.memory_space<vmem_shared>>
      tpu.wait_indirect_dma semaphore(%run_scoped3A_159 : memref<!tpu.dma_semaphore, #tpu.memory_space<semaphore_mem>>) src(%arg8 : memref<128xf32, #tpu.memory_space<vmem>>) dst(%dma_wait3A_169 : memref<8192xf32, #tpu.memory_space<vmem_shared>>)
      tpu.yield
    }) : () -> ()
    %barrier3A_153 = arith.constant 0 : index
    tpu.barrier barrier_id(%barrier3A_153)
    %mul3A_154 = arith.constant 4096 : i32
    %mul3A_155 = arith.muli %arg0, %mul3A_154 : i32
    %mul3A_156 = arith.constant 256 : i32
    %mul3A_157 = arith.muli %arg1, %mul3A_156 : i32
    %add3A_158 = arith.addi %mul3A_155, %mul3A_157 : i32
    "tpu.region"() ({
      %run_scoped3A_159 = tpu.sem_alloc : memref<!tpu.dma_semaphore, #tpu.memory_space<semaphore_mem>>
      %dma_start3A_160 = tpu.memref_slice %arg5[%add3A_158] : memref<8192xf32, #tpu.memory_space<hbm>> -> memref<256xf32, #tpu.memory_space<hbm>>
      %dma_start3A_161 = tpu.memref_slice %arg10[%add3A_158] : memref<8192xf32, #tpu.memory_space<vmem_shared>> -> memref<256xf32, #tpu.memory_space<vmem_shared>>
      tpu.enqueue_dma source(%dma_start3A_161 : memref<256xf32, #tpu.memory_space<vmem_shared>>) target(%dma_start3A_160 : memref<256xf32, #tpu.memory_space<hbm>>) target_semaphore(%run_scoped3A_159 : memref<!tpu.dma_semaphore, #tpu.memory_space<semaphore_mem>>)
      %dma_wait3A_162 = tpu.memref_slice %arg5[%add3A_158] : memref<8192xf32, #tpu.memory_space<hbm>> -> memref<256xf32, #tpu.memory_space<hbm>>
      %dma_wait3A_163 = tpu.memref_slice %arg10[%add3A_158] : memref<8192xf32, #tpu.memory_space<vmem_shared>> -> memref<256xf32, #tpu.memory_space<vmem_shared>>
      tpu.wait_dma2 semaphore(%run_scoped3A_159 : memref<!tpu.dma_semaphore, #tpu.memory_space<semaphore_mem>>) src(%dma_wait3A_163 : memref<256xf32, #tpu.memory_space<vmem_shared>>) dst(%dma_wait3A_162 : memref<256xf32, #tpu.memory_space<hbm>>)
      tpu.yield
    }) : () -> ()
    return
  }
}

module attributes {stable_mosaic.version = 14 : i64} {
  func.func @_argmin_body(%arg0: i32, %arg1: memref<512x32xf32, #tpu.memory_space<vmem>>, %arg2: memref<8192x32xf32, #tpu.memory_space<vmem>>, %arg3: memref<1x1x512xi32, #tpu.memory_space<vmem>>, %arg4: memref<1x1xf32, #tpu.memory_space<vmem>>) attributes {dimension_semantics = [#tpu.dimension_semantics<arbitrary>], iteration_bounds = array<i64: 16>, scalar_prefetch = 0 : i64, scratch_operands = 0 : i64, tpu.core_type = #tpu.core_type<tc>, window_params = [{transform_indices = @transform_0, window_bounds = array<i64: 512, 32>}, {pipeline_mode = #tpu.pipeline_mode<synchronous>, transform_indices = @transform_1, window_bounds = array<i64: 8192, 32>}, {transform_indices = @transform_2, window_bounds = array<i64: 1, 1, 512>}, {pipeline_mode = #tpu.pipeline_mode<synchronous>, transform_indices = @transform_3, window_bounds = array<i64: 1, 1>}]} {
    %get3A = arith.constant 0 : index
    %get3A_0 = arith.constant 0 : index
    %get3A_1 = vector.load %arg1[%get3A, %get3A_0] : memref<512x32xf32, #tpu.memory_space<vmem>>, vector<512x32xf32>
    %mul3A = arith.mulf %get3A_1, %get3A_1 : vector<512x32xf32>
    %reduce_sum3A = arith.constant dense<0.000000e+00> : vector<512xf32>
    %reduce_sum3A_2 = vector.multi_reduction <add>, %mul3A, %reduce_sum3A [1] : vector<512x32xf32> to vector<512xf32>
    %broadcast_in_dim3A = vector.shape_cast %reduce_sum3A_2 : vector<512xf32> to vector<512x1xf32>
    %convert_element_type3A = arith.truncf %get3A_1 : vector<512x32xf32> to vector<512x32xbf16>
    %broadcast_in_dim3A_3 = arith.constant 0x7F800000 : f32
    %broadcast_in_dim3A_4 = vector.broadcast %broadcast_in_dim3A_3 : f32 to vector<512x1xf32>
    %broadcast_in_dim3A_5 = arith.constant 0 : i32
    %broadcast_in_dim3A_6 = vector.broadcast %broadcast_in_dim3A_5 : i32 to vector<512x1xi32>
    %get3A_7 = arith.constant 0 : index
    %get3A_8 = arith.constant 0 : index
    %get3A_9 = vector.load %arg2[%get3A_7, %get3A_8] : memref<8192x32xf32, #tpu.memory_space<vmem>>, vector<2048x32xf32>
    %mul3A_10 = arith.mulf %get3A_9, %get3A_9 : vector<2048x32xf32>
    %reduce_sum3A_11 = arith.constant dense<0.000000e+00> : vector<2048xf32>
    %reduce_sum3A_12 = vector.multi_reduction <add>, %mul3A_10, %reduce_sum3A_11 [1] : vector<2048x32xf32> to vector<2048xf32>
    %broadcast_in_dim3A_13 = vector.shape_cast %reduce_sum3A_12 : vector<2048xf32> to vector<1x2048xf32>
    %convert_element_type3A_14 = arith.truncf %get3A_9 : vector<2048x32xf32> to vector<2048x32xbf16>
    %dot_general3A = arith.constant dense<0.000000e+00> : vector<512x2048xf32>
    %dot_general3A_15 = tpu.matmul %convert_element_type3A, %convert_element_type3A_14, %dot_general3A {dimension_numbers = #tpu.dot_dimension_numbers<[1], [1], [0], [0], [0, 0, 1, 0], [], []>, transpose_lhs_hint = false} : vector<512x32xbf16>, vector<2048x32xbf16>, vector<512x2048xf32> -> vector<512x2048xf32>
    %add3A = vector.broadcast %broadcast_in_dim3A : vector<512x1xf32> to vector<512x2048xf32>
    %add3A_16 = vector.broadcast %broadcast_in_dim3A_13 : vector<1x2048xf32> to vector<512x2048xf32>
    %add3A_17 = arith.addf %add3A, %add3A_16 : vector<512x2048xf32>
    %mul3A_18 = arith.constant 2.000000e+00 : f32
    %mul3A_19 = vector.broadcast %mul3A_18 : f32 to vector<512x2048xf32>
    %mul3A_20 = arith.mulf %mul3A_19, %dot_general3A_15 : vector<512x2048xf32>
    %sub3A = arith.subf %add3A_17, %mul3A_20 : vector<512x2048xf32>
    %reduce_min3A = arith.constant dense<0x7F800000> : vector<512xf32>
    %reduce_min3A_21 = vector.multi_reduction <minimumf>, %sub3A, %reduce_min3A [1] : vector<512x2048xf32> to vector<512xf32>
    %broadcast_in_dim3A_22 = vector.shape_cast %reduce_min3A_21 : vector<512xf32> to vector<512x1xf32>
    %iota3A = tpu.iota {dimensions = array<i32: 1>} : vector<512x2048xi32>
    %eq3A = vector.broadcast %broadcast_in_dim3A_22 : vector<512x1xf32> to vector<512x2048xf32>
    %eq3A_23 = arith.cmpf oeq, %sub3A, %eq3A : vector<512x2048xf32>
    %jit3A = arith.constant 8192 : i32
    %broadcast_in_dim3A_24 = vector.broadcast %jit3A : i32 to vector<512x2048xi32>
    %select_n3A = arith.select %eq3A_23, %iota3A, %broadcast_in_dim3A_24 : vector<512x2048xi1>, vector<512x2048xi32>
    %reduce_min3A_25 = arith.constant dense<2147483647> : vector<512xi32>
    %reduce_min3A_26 = vector.multi_reduction <minsi>, %select_n3A, %reduce_min3A_25 [1] : vector<512x2048xi32> to vector<512xi32>
    %broadcast_in_dim3A_27 = vector.shape_cast %reduce_min3A_26 : vector<512xi32> to vector<512x1xi32>
    %add3A_28 = arith.constant 0 : i32
    %add3A_29 = vector.broadcast %add3A_28 : i32 to vector<512x1xi32>
    %add3A_30 = arith.addi %broadcast_in_dim3A_27, %add3A_29 : vector<512x1xi32>
    %lt3A = arith.cmpf olt, %broadcast_in_dim3A_22, %broadcast_in_dim3A_4 : vector<512x1xf32>
    %select_n3A_31 = arith.select %lt3A, %add3A_30, %broadcast_in_dim3A_6 : vector<512x1xi1>, vector<512x1xi32>
    %convert_element_type3A_32 = arith.truncf %broadcast_in_dim3A_22 : vector<512x1xf32> to vector<512x1xbf16>
    %convert_element_type3A_33 = arith.extf %convert_element_type3A_32 : vector<512x1xbf16> to vector<512x1xf32>
    %select_n3A_34 = arith.select %lt3A, %convert_element_type3A_33, %broadcast_in_dim3A_4 : vector<512x1xi1>, vector<512x1xf32>
    %get3A_35 = arith.constant 2048 : index
    %get3A_36 = arith.constant 0 : index
    %get3A_37 = vector.load %arg2[%get3A_35, %get3A_36] : memref<8192x32xf32, #tpu.memory_space<vmem>>, vector<2048x32xf32>
    %mul3A_38 = arith.mulf %get3A_37, %get3A_37 : vector<2048x32xf32>
    %reduce_sum3A_39 = arith.constant dense<0.000000e+00> : vector<2048xf32>
    %reduce_sum3A_40 = vector.multi_reduction <add>, %mul3A_38, %reduce_sum3A_39 [1] : vector<2048x32xf32> to vector<2048xf32>
    %broadcast_in_dim3A_41 = vector.shape_cast %reduce_sum3A_40 : vector<2048xf32> to vector<1x2048xf32>
    %convert_element_type3A_42 = arith.truncf %get3A_37 : vector<2048x32xf32> to vector<2048x32xbf16>
    %dot_general3A_43 = arith.constant dense<0.000000e+00> : vector<512x2048xf32>
    %dot_general3A_44 = tpu.matmul %convert_element_type3A, %convert_element_type3A_42, %dot_general3A_43 {dimension_numbers = #tpu.dot_dimension_numbers<[1], [1], [0], [0], [0, 0, 1, 0], [], []>, transpose_lhs_hint = false} : vector<512x32xbf16>, vector<2048x32xbf16>, vector<512x2048xf32> -> vector<512x2048xf32>
    %add3A_45 = vector.broadcast %broadcast_in_dim3A : vector<512x1xf32> to vector<512x2048xf32>
    %add3A_46 = vector.broadcast %broadcast_in_dim3A_41 : vector<1x2048xf32> to vector<512x2048xf32>
    %add3A_47 = arith.addf %add3A_45, %add3A_46 : vector<512x2048xf32>
    %mul3A_48 = arith.constant 2.000000e+00 : f32
    %mul3A_49 = vector.broadcast %mul3A_48 : f32 to vector<512x2048xf32>
    %mul3A_50 = arith.mulf %mul3A_49, %dot_general3A_44 : vector<512x2048xf32>
    %sub3A_51 = arith.subf %add3A_47, %mul3A_50 : vector<512x2048xf32>
    %reduce_min3A_52 = arith.constant dense<0x7F800000> : vector<512xf32>
    %reduce_min3A_53 = vector.multi_reduction <minimumf>, %sub3A_51, %reduce_min3A_52 [1] : vector<512x2048xf32> to vector<512xf32>
    %broadcast_in_dim3A_54 = vector.shape_cast %reduce_min3A_53 : vector<512xf32> to vector<512x1xf32>
    %iota3A_55 = tpu.iota {dimensions = array<i32: 1>} : vector<512x2048xi32>
    %eq3A_56 = vector.broadcast %broadcast_in_dim3A_54 : vector<512x1xf32> to vector<512x2048xf32>
    %eq3A_57 = arith.cmpf oeq, %sub3A_51, %eq3A_56 : vector<512x2048xf32>
    %jit3A_58 = arith.constant 8192 : i32
    %broadcast_in_dim3A_59 = vector.broadcast %jit3A_58 : i32 to vector<512x2048xi32>
    %select_n3A_60 = arith.select %eq3A_57, %iota3A_55, %broadcast_in_dim3A_59 : vector<512x2048xi1>, vector<512x2048xi32>
    %reduce_min3A_61 = arith.constant dense<2147483647> : vector<512xi32>
    %reduce_min3A_62 = vector.multi_reduction <minsi>, %select_n3A_60, %reduce_min3A_61 [1] : vector<512x2048xi32> to vector<512xi32>
    %broadcast_in_dim3A_63 = vector.shape_cast %reduce_min3A_62 : vector<512xi32> to vector<512x1xi32>
    %add3A_64 = arith.constant 2048 : i32
    %add3A_65 = vector.broadcast %add3A_64 : i32 to vector<512x1xi32>
    %add3A_66 = arith.addi %broadcast_in_dim3A_63, %add3A_65 : vector<512x1xi32>
    %lt3A_67 = arith.cmpf olt, %broadcast_in_dim3A_54, %select_n3A_34 : vector<512x1xf32>
    %select_n3A_68 = arith.select %lt3A_67, %add3A_66, %select_n3A_31 : vector<512x1xi1>, vector<512x1xi32>
    %convert_element_type3A_69 = arith.truncf %broadcast_in_dim3A_54 : vector<512x1xf32> to vector<512x1xbf16>
    %convert_element_type3A_70 = arith.extf %convert_element_type3A_69 : vector<512x1xbf16> to vector<512x1xf32>
    %select_n3A_71 = arith.select %lt3A_67, %convert_element_type3A_70, %select_n3A_34 : vector<512x1xi1>, vector<512x1xf32>
    %get3A_72 = arith.constant 4096 : index
    %get3A_73 = arith.constant 0 : index
    %get3A_74 = vector.load %arg2[%get3A_72, %get3A_73] : memref<8192x32xf32, #tpu.memory_space<vmem>>, vector<2048x32xf32>
    %mul3A_75 = arith.mulf %get3A_74, %get3A_74 : vector<2048x32xf32>
    %reduce_sum3A_76 = arith.constant dense<0.000000e+00> : vector<2048xf32>
    %reduce_sum3A_77 = vector.multi_reduction <add>, %mul3A_75, %reduce_sum3A_76 [1] : vector<2048x32xf32> to vector<2048xf32>
    %broadcast_in_dim3A_78 = vector.shape_cast %reduce_sum3A_77 : vector<2048xf32> to vector<1x2048xf32>
    %convert_element_type3A_79 = arith.truncf %get3A_74 : vector<2048x32xf32> to vector<2048x32xbf16>
    %dot_general3A_80 = arith.constant dense<0.000000e+00> : vector<512x2048xf32>
    %dot_general3A_81 = tpu.matmul %convert_element_type3A, %convert_element_type3A_79, %dot_general3A_80 {dimension_numbers = #tpu.dot_dimension_numbers<[1], [1], [0], [0], [0, 0, 1, 0], [], []>, transpose_lhs_hint = false} : vector<512x32xbf16>, vector<2048x32xbf16>, vector<512x2048xf32> -> vector<512x2048xf32>
    %add3A_82 = vector.broadcast %broadcast_in_dim3A : vector<512x1xf32> to vector<512x2048xf32>
    %add3A_83 = vector.broadcast %broadcast_in_dim3A_78 : vector<1x2048xf32> to vector<512x2048xf32>
    %add3A_84 = arith.addf %add3A_82, %add3A_83 : vector<512x2048xf32>
    %mul3A_85 = arith.constant 2.000000e+00 : f32
    %mul3A_86 = vector.broadcast %mul3A_85 : f32 to vector<512x2048xf32>
    %mul3A_87 = arith.mulf %mul3A_86, %dot_general3A_81 : vector<512x2048xf32>
    %sub3A_88 = arith.subf %add3A_84, %mul3A_87 : vector<512x2048xf32>
    %reduce_min3A_89 = arith.constant dense<0x7F800000> : vector<512xf32>
    %reduce_min3A_90 = vector.multi_reduction <minimumf>, %sub3A_88, %reduce_min3A_89 [1] : vector<512x2048xf32> to vector<512xf32>
    %broadcast_in_dim3A_91 = vector.shape_cast %reduce_min3A_90 : vector<512xf32> to vector<512x1xf32>
    %iota3A_92 = tpu.iota {dimensions = array<i32: 1>} : vector<512x2048xi32>
    %eq3A_93 = vector.broadcast %broadcast_in_dim3A_91 : vector<512x1xf32> to vector<512x2048xf32>
    %eq3A_94 = arith.cmpf oeq, %sub3A_88, %eq3A_93 : vector<512x2048xf32>
    %jit3A_95 = arith.constant 8192 : i32
    %broadcast_in_dim3A_96 = vector.broadcast %jit3A_95 : i32 to vector<512x2048xi32>
    %select_n3A_97 = arith.select %eq3A_94, %iota3A_92, %broadcast_in_dim3A_96 : vector<512x2048xi1>, vector<512x2048xi32>
    %reduce_min3A_98 = arith.constant dense<2147483647> : vector<512xi32>
    %reduce_min3A_99 = vector.multi_reduction <minsi>, %select_n3A_97, %reduce_min3A_98 [1] : vector<512x2048xi32> to vector<512xi32>
    %broadcast_in_dim3A_100 = vector.shape_cast %reduce_min3A_99 : vector<512xi32> to vector<512x1xi32>
    %add3A_101 = arith.constant 4096 : i32
    %add3A_102 = vector.broadcast %add3A_101 : i32 to vector<512x1xi32>
    %add3A_103 = arith.addi %broadcast_in_dim3A_100, %add3A_102 : vector<512x1xi32>
    %lt3A_104 = arith.cmpf olt, %broadcast_in_dim3A_91, %select_n3A_71 : vector<512x1xf32>
    %select_n3A_105 = arith.select %lt3A_104, %add3A_103, %select_n3A_68 : vector<512x1xi1>, vector<512x1xi32>
    %convert_element_type3A_106 = arith.truncf %broadcast_in_dim3A_91 : vector<512x1xf32> to vector<512x1xbf16>
    %convert_element_type3A_107 = arith.extf %convert_element_type3A_106 : vector<512x1xbf16> to vector<512x1xf32>
    %select_n3A_108 = arith.select %lt3A_104, %convert_element_type3A_107, %select_n3A_71 : vector<512x1xi1>, vector<512x1xf32>
    %get3A_109 = arith.constant 6144 : index
    %get3A_110 = arith.constant 0 : index
    %get3A_111 = vector.load %arg2[%get3A_109, %get3A_110] : memref<8192x32xf32, #tpu.memory_space<vmem>>, vector<2048x32xf32>
    %mul3A_112 = arith.mulf %get3A_111, %get3A_111 : vector<2048x32xf32>
    %reduce_sum3A_113 = arith.constant dense<0.000000e+00> : vector<2048xf32>
    %reduce_sum3A_114 = vector.multi_reduction <add>, %mul3A_112, %reduce_sum3A_113 [1] : vector<2048x32xf32> to vector<2048xf32>
    %broadcast_in_dim3A_115 = vector.shape_cast %reduce_sum3A_114 : vector<2048xf32> to vector<1x2048xf32>
    %convert_element_type3A_116 = arith.truncf %get3A_111 : vector<2048x32xf32> to vector<2048x32xbf16>
    %dot_general3A_117 = arith.constant dense<0.000000e+00> : vector<512x2048xf32>
    %dot_general3A_118 = tpu.matmul %convert_element_type3A, %convert_element_type3A_116, %dot_general3A_117 {dimension_numbers = #tpu.dot_dimension_numbers<[1], [1], [0], [0], [0, 0, 1, 0], [], []>, transpose_lhs_hint = false} : vector<512x32xbf16>, vector<2048x32xbf16>, vector<512x2048xf32> -> vector<512x2048xf32>
    %add3A_119 = vector.broadcast %broadcast_in_dim3A : vector<512x1xf32> to vector<512x2048xf32>
    %add3A_120 = vector.broadcast %broadcast_in_dim3A_115 : vector<1x2048xf32> to vector<512x2048xf32>
    %add3A_121 = arith.addf %add3A_119, %add3A_120 : vector<512x2048xf32>
    %mul3A_122 = arith.constant 2.000000e+00 : f32
    %mul3A_123 = vector.broadcast %mul3A_122 : f32 to vector<512x2048xf32>
    %mul3A_124 = arith.mulf %mul3A_123, %dot_general3A_118 : vector<512x2048xf32>
    %sub3A_125 = arith.subf %add3A_121, %mul3A_124 : vector<512x2048xf32>
    %reduce_min3A_126 = arith.constant dense<0x7F800000> : vector<512xf32>
    %reduce_min3A_127 = vector.multi_reduction <minimumf>, %sub3A_125, %reduce_min3A_126 [1] : vector<512x2048xf32> to vector<512xf32>
    %broadcast_in_dim3A_128 = vector.shape_cast %reduce_min3A_127 : vector<512xf32> to vector<512x1xf32>
    %iota3A_129 = tpu.iota {dimensions = array<i32: 1>} : vector<512x2048xi32>
    %eq3A_130 = vector.broadcast %broadcast_in_dim3A_128 : vector<512x1xf32> to vector<512x2048xf32>
    %eq3A_131 = arith.cmpf oeq, %sub3A_125, %eq3A_130 : vector<512x2048xf32>
    %jit3A_132 = arith.constant 8192 : i32
    %broadcast_in_dim3A_133 = vector.broadcast %jit3A_132 : i32 to vector<512x2048xi32>
    %select_n3A_134 = arith.select %eq3A_131, %iota3A_129, %broadcast_in_dim3A_133 : vector<512x2048xi1>, vector<512x2048xi32>
    %reduce_min3A_135 = arith.constant dense<2147483647> : vector<512xi32>
    %reduce_min3A_136 = vector.multi_reduction <minsi>, %select_n3A_134, %reduce_min3A_135 [1] : vector<512x2048xi32> to vector<512xi32>
    %broadcast_in_dim3A_137 = vector.shape_cast %reduce_min3A_136 : vector<512xi32> to vector<512x1xi32>
    %add3A_138 = arith.constant 6144 : i32
    %add3A_139 = vector.broadcast %add3A_138 : i32 to vector<512x1xi32>
    %add3A_140 = arith.addi %broadcast_in_dim3A_137, %add3A_139 : vector<512x1xi32>
    %lt3A_141 = arith.cmpf olt, %broadcast_in_dim3A_128, %select_n3A_108 : vector<512x1xf32>
    %select_n3A_142 = arith.select %lt3A_141, %add3A_140, %select_n3A_105 : vector<512x1xi1>, vector<512x1xi32>
    %convert_element_type3A_143 = arith.truncf %broadcast_in_dim3A_128 : vector<512x1xf32> to vector<512x1xbf16>
    %convert_element_type3A_144 = arith.extf %convert_element_type3A_143 : vector<512x1xbf16> to vector<512x1xf32>
    %select_n3A_145 = arith.select %lt3A_141, %convert_element_type3A_144, %select_n3A_108 : vector<512x1xi1>, vector<512x1xf32>
    %squeeze3A = vector.shape_cast %select_n3A_142 : vector<512x1xi32> to vector<512xi32>
    %swap3A = arith.constant 0 : index
    %swap3A_146 = arith.constant 0 : index
    %swap3A_147 = arith.constant 0 : index
    %swap3A_148 = vector.load %arg3[%swap3A, %swap3A_146, %swap3A_147] : memref<1x1x512xi32, #tpu.memory_space<vmem>>, vector<1x1x512xi32>
    %swap3A_149 = vector.shape_cast %swap3A_148 : vector<1x1x512xi32> to vector<512xi32>
    %swap3A_150 = vector.shape_cast %squeeze3A : vector<512xi32> to vector<1x1x512xi32>
    tpu.vector_store %arg3[%swap3A, %swap3A_146, %swap3A_147], %swap3A_150 {strides = array<i32>} : memref<1x1x512xi32, #tpu.memory_space<vmem>>, vector<1x1x512xi32>,
    %eq3A_151 = arith.constant 0 : i32
    %eq3A_152 = arith.cmpi eq, %arg0, %eq3A_151 : i32
    %convert_element_type3A_153 = arith.extui %eq3A_152 : i1 to i32
    %cond3A = arith.constant 0 : i32
    %cond3A_154 = arith.cmpi ne, %convert_element_type3A_153, %cond3A : i32
    scf.if %cond3A_154 {
      %broadcast_in_dim3A_167 = arith.constant 0.000000e+00 : f32
      %broadcast_in_dim3A_168 = vector.broadcast %broadcast_in_dim3A_167 : f32 to vector<1x1xf32>
      %swap3A_169 = arith.constant 0 : index
      %swap3A_170 = arith.constant 0 : index
      %swap3A_171 = vector.load %arg4[%swap3A_169, %swap3A_170] : memref<1x1xf32, #tpu.memory_space<vmem>>, vector<1x1xf32>
      tpu.vector_store %arg4[%swap3A_169, %swap3A_170], %broadcast_in_dim3A_168 {strides = array<i32>} : memref<1x1xf32, #tpu.memory_space<vmem>>, vector<1x1xf32>,
    } else {
    }
    %get3A_155 = arith.constant 0 : index
    %get3A_156 = arith.constant 0 : index
    %get3A_157 = vector.load %arg4[%get3A_155, %get3A_156] : memref<1x1xf32, #tpu.memory_space<vmem>>, vector<1x1xf32>
    %reduce_sum3A_158 = vector.shape_cast %select_n3A_145 : vector<512x1xf32> to vector<1x512x1xf32>
    %reduce_sum3A_159 = arith.constant dense<0.000000e+00> : vector<1xf32>
    %reduce_sum3A_160 = vector.multi_reduction <add>, %reduce_sum3A_158, %reduce_sum3A_159 [1, 2] : vector<1x512x1xf32> to vector<1xf32>
    %reduce_sum3A_161 = vector.shape_cast %reduce_sum3A_160 : vector<1xf32> to vector<1x1x1xf32>
    %reduce_sum3A_162 = vector.extract %reduce_sum3A_161[0, 0, 0] : f32 from vector<1x1x1xf32>
    %reshape3A = vector.broadcast %reduce_sum3A_162 : f32 to vector<1x1xf32>
    %add3A_163 = arith.addf %get3A_157, %reshape3A : vector<1x1xf32>
    %swap3A_164 = arith.constant 0 : index
    %swap3A_165 = arith.constant 0 : index
    %swap3A_166 = vector.load %arg4[%swap3A_164, %swap3A_165] : memref<1x1xf32, #tpu.memory_space<vmem>>, vector<1x1xf32>
    tpu.vector_store %arg4[%swap3A_164, %swap3A_165], %add3A_163 {strides = array<i32>} : memref<1x1xf32, #tpu.memory_space<vmem>>, vector<1x1xf32>,
    return
  }
  func.func @transform_0(%arg0: i32) -> (i32, i32) {
    %c0_i32 = arith.constant 0 : i32
    %c0_i32_0 = arith.constant 0 : i32
    return %arg0, %c0_i32 : i32, i32
  }
  func.func @transform_1(%arg0: i32) -> (i32, i32) {
    %c0_i32 = arith.constant 0 : i32
    %c0_i32_0 = arith.constant 0 : i32
    %c0_i32_1 = arith.constant 0 : i32
    return %c0_i32, %c0_i32_0 : i32, i32
  }
  func.func @transform_2(%arg0: i32) -> (i32, i32, i32) {
    %c0_i32 = arith.constant 0 : i32
    %c0_i32_0 = arith.constant 0 : i32
    %c0_i32_1 = arith.constant 0 : i32
    return %arg0, %c0_i32, %c0_i32_0 : i32, i32, i32
  }
  func.func @transform_3(%arg0: i32) -> (i32, i32) {
    %c0_i32 = arith.constant 0 : i32
    %c0_i32_0 = arith.constant 0 : i32
    %c0_i32_1 = arith.constant 0 : i32
    return %c0_i32, %c0_i32_0 : i32, i32
  }
}

module attributes {stable_mosaic.version = 14 : i64} {
  func.func @_perplexity_body(%arg0: memref<64x128xf32, #tpu.memory_space<vmem>>, %arg1: memref<1x1xf32, #tpu.memory_space<vmem>>) attributes {dimension_semantics = [], scalar_prefetch = 0 : i64, scratch_operands = 0 : i64, tpu.core_type = #tpu.core_type<tc>} {
    %get3A = arith.constant 0 : index
    %get3A_0 = arith.constant 0 : index
    %get3A_1 = vector.load %arg0[%get3A, %get3A_0] : memref<64x128xf32, #tpu.memory_space<vmem>>, vector<64x128xf32>
    %mul3A = arith.constant 1.22070313E-4 : f32
    %mul3A_2 = vector.broadcast %mul3A : f32 to vector<64x128xf32>
    %mul3A_3 = arith.mulf %get3A_1, %mul3A_2 : vector<64x128xf32>
    %add3A = arith.constant 1.000000e-10 : f32
    %add3A_4 = vector.broadcast %add3A : f32 to vector<64x128xf32>
    %add3A_5 = arith.addf %mul3A_3, %add3A_4 : vector<64x128xf32>
    %log3A = math.log %add3A_5 : vector<64x128xf32>
    %mul3A_6 = arith.mulf %mul3A_3, %log3A : vector<64x128xf32>
    %reduce_sum3A = vector.shape_cast %mul3A_6 : vector<64x128xf32> to vector<1x64x128xf32>
    %reduce_sum3A_7 = arith.constant dense<0.000000e+00> : vector<1xf32>
    %reduce_sum3A_8 = vector.multi_reduction <add>, %reduce_sum3A, %reduce_sum3A_7 [1, 2] : vector<1x64x128xf32> to vector<1xf32>
    %reduce_sum3A_9 = vector.shape_cast %reduce_sum3A_8 : vector<1xf32> to vector<1x1x1xf32>
    %reduce_sum3A_10 = vector.extract %reduce_sum3A_9[0, 0, 0] : f32 from vector<1x1x1xf32>
    %neg3A = arith.constant 0.000000e+00 : f32
    %neg3A_11 = arith.subf %neg3A, %reduce_sum3A_10 : f32
    %exp3A = math.exp %neg3A_11 : f32
    %reshape3A = vector.broadcast %exp3A : f32 to vector<1x1xf32>
    %swap3A = arith.constant 0 : index
    %swap3A_12 = arith.constant 0 : index
    %swap3A_13 = vector.load %arg1[%swap3A, %swap3A_12] : memref<1x1xf32, #tpu.memory_space<vmem>>, vector<1x1xf32>
    tpu.vector_store %arg1[%swap3A, %swap3A_12], %reshape3A {strides = array<i32>} : memref<1x1xf32, #tpu.memory_space<vmem>>, vector<1x1xf32>,
    return
  }
}

</mosaic_0001>

<sc_bundles>
// kernel: kernel.5.cloned.1.call-start
scs
__scs_entry_jumppad:
0x0: {  	(pc) =	sbr.rel $0x88, $3  }
0x1: {  	(tag) =	ssettag $0x0;
	lr =	simm.s32 $0x1  }
0x2: {  	[smem:$0x3F9F] =	sst lr;
	_ =	strace $0xD0000000  }
0x3: {  	_ = 	snop  }
0x4: {  	_ = 	snop  }
0x5: {  	_ = 	snop  }
0x6: {  	_ = 	snop  }
0x7: {  	_ = 	snop  }
__scs_overlays_trampoline_lowered:
0x8: {  	[smem:$0x3FAE] =	sst s0  }
0x9: {  	[smem:$0x3FAF] =	sst s1  }
0xa: {  	[smem:$0x3FB0] =	sst s2  }
0xb: {  	[smem:$0x3FB1] =	sst s3  }
0xc: {  	[smem:$0x3FB2] =	sst s4  }
0xd: {  	[smem:$0x3FB3] =	sst s5  }
0xe: {  	[smem:$0x3FB4] =	sst s6  }
0xf: {  	[smem:$0x3FB5] =	sst s7  }
0x10: {  	[smem:$0x3FB6] =	sst s8  }
0x11: {  	[smem:$0x3FB7] =	sst s9;
	s0 =	simm.s32 @!p0 $0x0  }
0x12: {  	s1 =	sld [smem:$0x3F9D];
	s0 =	simm.s32 @p0 $0x1  }
0x13: {  	[smem:$0x3FB8] =	sst s0;
	s0 =	simm.s32 @!p1 $0x0  }
0x14: {  	s2 =	sld [smem:$0x3F9C];
	s0 =	simm.s32 @p1 $0x1  }
0x15: {  	[smem:$0x3FB9] =	sst s0;
	s0 =	simm.s32 @!p2 $0x0  }
0x16: {  	s3 =	sld [smem:$0x3FDB];
	s0 =	simm.s32 @p2 $0x1  }
0x17: {  	s4 =	simm.s32 $0x1BF5;
	[smem:$0x3FBB] =	sst s0  }
0x18: {  	s0 =	sld [smem:$0x3F9E];
	_ =	swait.ge [sflag:s4], $0x0  }
0x19: {  	s7 =	sld [smem:$0x3F9F]  }
0x1a: {  	s8 =	sadd.s32 $0xFFFFE003, lr  }
0x1b: {  	s9 =	sadd.s32 $0xFFFFFEF7, lr;
	s5 =	simm.s32 $0xFFFFFFFF;
	p2 =	slt.u32 s8, $0xFFFFF086  }
0x1c: {  	p1 =	slt.u32 s9, $0xF7A;
	s5 =	simm.s32 @!p2 $0x0  }
0x1d: {  	s5 =	simm.s32 @p1 $0x1;
	p0 =	seq.s32 s7, s2  }
0x1e: {  	s7 =	smul.u32 @!p0 $0xF7A, s2;
	p2 =	seq.s32 @!p0 s5, $0x0  }
0x1f: {  	s9 =	smul.u32 $0xF7A, s1;
	s8 =	simm.s32 @!p0 $0x1BF5;
	p2 =	por !p2, p0  }
0x20: {  	[sflag:s8] =	ssyncset.s32 @!p0 $0xFFFFF086;
	s6 =	sadd.s32 @!p0 s3, s7;
	s7 =	simm.s32 @!p0 $0x108  }
0x21: {  	s3 =	sadd.s32 s3, s9;
	s6 =	sadd.s32 @!p0 $0x88, s6;
	s7 =	simm.s32 @p2 $0x1082  }
0x22: {  	[simem:s7], [sflag:s8] =	dma.local @!p0 [hbm:s6], $0xF7A  }
0x23: {  	s9 =	sor.u32 $0xD0000000, s2;
	s6 =	simm.s32 $0x108;
	_ =	swait.ge @!p0 [sflag:s8], $0x0  }
0x24: {  	s3 =	sadd.s32 $0x88, s3;
	s6 =	simm.s32 @!p1 $0x1082;
	[sflag:s4] =	ssyncset.s32 $0xFFFFF086  }
0x25: {  	[simem:s6], [sflag:s4] =	dma.local [hbm:s3], $0xF7A  }
0x26: {  	[smem:$0x3F9F] =	sst s1;
	(tag) =	ssettag s2;
	_ =	strace s9  }
0x27: {  	s1 =	sld [smem:$0x3FAF]  }
0x28: {  	s2 =	sld [smem:$0x3FB0]  }
0x29: {  	s4 =	sld [smem:$0x3FB2]  }
0x2a: {  	p0 =	seq.s32 s5, $0x0;
	s5 =	sld [smem:$0x3FB3]  }
0x2b: {  	s6 =	sld [smem:$0x3FB4]  }
0x2c: {  	s7 =	sld [smem:$0x3FB5]  }
0x2d: {  	s3 =	simm.s32 $0x108;
	s8 =	sld [smem:$0x3FB6]  }
0x2e: {  	s3 =	simm.s32 @!p0 $0x1082;
	s9 =	sld [smem:$0x3FB7]  }
0x2f: {  	lr =	sadd.s32 s0, s3;
	s0 =	sld [smem:$0x3FAE]  }
0x30: {  	s3 =	sld [smem:$0x3FB1]  }
0x31: {  	[smem:$0x3FBA] =	sst s10  }
0x32: {  	s10 =	sld [smem:$0x3FB8];
	_ =	sdelay $0x3  }
0x33: {  	p0 =	seq.s32 s10, $0x1;
	s10 =	sld [smem:$0x3FBA];
	_ =	sdelay $0x3  }
0x34: {  	[smem:$0x3FBA] =	sst s10  }
0x35: {  	s10 =	sld [smem:$0x3FB9];
	_ =	sdelay $0x3  }
0x36: {  	p1 =	seq.s32 s10, $0x1;
	s10 =	sld [smem:$0x3FBA];
	_ =	sdelay $0x3  }
0x37: {  	[smem:$0x3FBA] =	sst s10  }
0x38: {  	s10 =	sld [smem:$0x3FBB]  }
0x39: {  	_ = 	snop;
	(pc) =	sbr.ind lr, $3  }
0x3a: {  	_ = 	snop  }
0x3b: {  	_ = 	snop  }
0x3c: {  	p2 =	seq.s32 s10, $0x1;
	s10 =	sld [smem:$0x3FBA]  }
0x3d: {  	_ =	shalt  }
0x3e: {  	_ =	shalt  }
0x3f: {  	_ =	shalt  }
0x40: {  	_ =	shalt  }
0x41: {  	_ =	shalt  }
0x42: {  	_ =	shalt  }
0x43: {  	_ =	shalt  }
0x44: {  	_ =	shalt  }
0x45: {  	_ =	shalt  }
0x46: {  	_ =	shalt  }
0x47: {  	_ =	shalt  }
0x48: {  	_ =	shalt  }
0x49: {  	_ =	shalt  }
0x4a: {  	_ =	shalt  }
0x4b: {  	_ =	shalt  }
0x4c: {  	_ =	shalt  }
0x4d: {  	_ =	shalt  }
0x4e: {  	_ =	shalt  }
0x4f: {  	_ =	shalt  }
0x50: {  	_ =	shalt  }
0x51: {  	_ =	shalt  }
0x52: {  	_ =	shalt  }
0x53: {  	_ =	shalt  }
0x54: {  	_ =	shalt  }
0x55: {  	_ =	shalt  }
0x56: {  	_ =	shalt  }
0x57: {  	_ =	shalt  }
0x58: {  	_ =	shalt  }
0x59: {  	_ =	shalt  }
0x5a: {  	_ =	shalt  }
0x5b: {  	_ =	shalt  }
0x5c: {  	_ =	shalt  }
0x5d: {  	_ =	shalt  }
0x5e: {  	_ =	shalt  }
0x5f: {  	_ =	shalt  }
0x60: {  	_ =	shalt  }
0x61: {  	_ =	shalt  }
0x62: {  	_ =	shalt  }
0x63: {  	_ =	shalt  }
0x64: {  	_ =	shalt  }
0x65: {  	_ =	shalt  }
0x66: {  	_ =	shalt  }
0x67: {  	_ =	shalt  }
0x68: {  	_ =	shalt  }
0x69: {  	_ =	shalt  }
0x6a: {  	_ =	shalt  }
0x6b: {  	_ =	shalt  }
0x6c: {  	_ =	shalt  }
0x6d: {  	_ =	shalt  }
0x6e: {  	_ =	shalt  }
0x6f: {  	_ =	shalt  }
0x70: {  	_ =	shalt  }
0x71: {  	_ =	shalt  }
0x72: {  	_ =	shalt  }
0x73: {  	_ =	shalt  }
0x74: {  	_ =	shalt  }
0x75: {  	_ =	shalt  }
0x76: {  	_ =	shalt  }
0x77: {  	_ =	shalt  }
0x78: {  	_ =	shalt  }
0x79: {  	_ =	shalt  }
0x7a: {  	_ =	shalt  }
0x7b: {  	_ =	shalt  }
0x7c: {  	_ =	shalt  }
0x7d: {  	_ =	shalt  }
0x7e: {  	_ =	shalt  }
0x7f: {  	_ =	shalt  }
0x80: {  	_ =	shalt  }
0x81: {  	_ =	shalt  }
0x82: {  	_ =	shalt  }
0x83: {  	_ =	shalt  }
0x84: {  	_ =	shalt  }
0x85: {  	_ =	shalt  }
0x86: {  	_ =	shalt  }
0x87: {  	_ =	shalt  }
.Lfunc_end0:
.L_simem_size_0:
called_computation_lowered:
.L_overlay_start_0:
0x88: {  	s2 =	sld [smem:$0x3FD9]  }
0x89: {  	s3 =	sld [smem:$0x3FFE];
	_ =	sdelay $0x1  }
0x8a: {  	s1 =	srdreg.scid  }
0x8b: {  	s0 =	sand.u32 $0x1, s1  }
0x8c: {  	s14 =	sshll.u32 s0, $0xA;
	s2 =	sadd.s32 s3, s2  }
0x8d: {  	s2 =	sadd.s32 s2, s14  }
0x8e: {  	[smem:$0x3FC6] =	sst s2  }
0x8f: {  	_ = 	snop  }
0x90: {  	s2 =	sld [smem:$0x3FD0];
	_ =	sdelay $0x2  }
0x91: {  	s15 =	simm.s32 $0xA;
	s4 =	simm.s32 $0x10  }
0x92: {  	[smem:s4], [sflag:s15] =	dma.local [hbm:s2], $0x1  }
0x93: {  	_ =	swait.eq [sflag:s15], $0x1  }
0x94: {  	[sflag:s15] =	ssyncset.done $0x0  }
0x95: {  	[sflag:s15] =	ssyncadd.s32 $0xFFFFFFFF  }
0x96: {  	s16 =	sld [smem:$0x10];
	(tm) =	ssettm $0x1  }
0x97: {  	s17 =	sld [smem:$0x3FFB];
	_ =	sdelay $0x3  }
0x98: {  	_ =	strace s17  }
0x99: {  	s3 =	sld [smem:$0x3FFC];
	_ =	sdelay $0x3  }
0x9a: {  	_ =	strace s3  }
0x9b: {  	s3 =	sld [smem:$0x3FFD];
	_ =	sdelay $0x3  }
0x9c: {  	_ =	strace s3  }
0x9d: {  	_ =	strace $0x8FFFFFFF  }
0x9e: {  	s18 =	sld [smem:$0x3FDB];
	_ =	sdelay $0x1  }
0x9f: {  	s19 =	simm.s32 $_scs_section_size  }
0xa0: {  	s5 =	simm.s32 $_size__tile_overlayer_lowered;
	s6 =	simm.s32 $_tile_overlayer_lowered  }
0xa1: {  	s22 =	simm.s32 $0x1BFF;
	s21 =	sshll.u32 s6, $0x1;
	s3 =	sadd.s32 s19, s18  }
0xa2: {  	s7 =	simm.s32 $0x0;
	s20 =	sshll.u32 s5, $0x1;
	s5 =	sadd.s32 s21, s3  }
0xa3: {  	[timem:s7], [sflag:s22] =	dma.local [hbm:s5], s20  }
0xa4: {  	_ =	swait.ge [sflag:s22], s20  }
0xa5: {  	s4 =	ssub.s32 $0x0, s20;
	[sflag:s22] =	ssyncset.done $0x0  }
0xa6: {  	[sflag:s22] =	ssyncadd.s32 s4;
	_ =	sdelay $0x1  }
0xa7: {  	s23 =	simm.s32 $0x1B8B  }
0xa8: {  	_ =	swait.ge [sflag:s23], $0x1  }
0xa9: {  	[sflag:s23] =	ssyncset.done $0x0  }
0xaa: {  	s25 =	simm.s32 $0x1B8E;
	s24 =	sld [smem:$0x3FFE];
	[sflag:s23] =	ssyncadd.s32 $0xFFFFFFFF  }
0xab: {  	s26 =	simm.s32 $execute0_lowered;
	[smem:$0x3FD2] =	sst s25  }
0xac: {  	s5 =	sshll.u32 s26, $0x1;
	_ =	strace $0x80000046;
	[dreg:$0x1] =	wrdreg $0xFFFFFFFF  }
0xad: {  	s28 =	simm.s32 $_size_execute0_lowered;
	s3 =	sadd.s32 s3, s5;
	[dreg:$0x0] =	wrdreg $0x0  }
0xae: {  	s5 =	sshll.u32 s28, $0x1;
	[dreg:$0x2] =	wrdreg s3  }
0xaf: {  	[dreg:$0x3] =	wrdreg s5  }
0xb0: {  	[dreg:$0x4] =	wrdreg $0xC0  }
0xb1: {  	_ =	task [dreg:s7], $0x5FFFF  }
0xb2: {  	[dreg:$0x1] =	wrdreg $0xFFFFFFFF  }
0xb3: {  	[dreg:$0x0] =	wrdreg $0x60  }
0xb4: {  	[dreg:$0x2] =	wrdreg s16  }
0xb5: {  	[dreg:$0x3] =	wrdreg s24  }
0xb6: {  	[dreg:$0x4] =	wrdreg $0x13000  }
0xb7: {  	[dreg:$0x5] =	wrdreg $0x9  }
0xb8: {  	_ =	task.clear_ibuf [dreg:s7], $0x6FFFF;
	_ =	strace $0x90000046  }
0xb9: {  	s29 =	simm.s32 $0x9;
	_ =	strace $0x80000048  }
0xba: {  	_ =	swait.ge [sflag:s29], $0x1  }
0xbb: {  	[sflag:s29] =	ssyncadd.s32 $0xFFFFFFFF  }
0xbc: {  	_ =	strace $0x90000048  }
0xbd: {  	_ =	sfence  }
0xbe: {  	s30 =	sld [smem:$0x0];
	_ =	sdelay $0x2  }
0xbf: {  	s31 =	sshll.u32 s1, $0xD;
	s1 =	sshrl.u32 s1, $0x2  }
0xc0: {  	s3 =	sand.u32 $0x4000, s31;
	s1 =	sadd.s32 s1, s30  }
0xc1: {  	s0 =	sor.u32 s3, s0;
	s1 =	sshll.u32 s1, $0x11  }
0xc2: {  	s0 =	sor.u32 s1, s0  }
0xc3: {  	s0 =	sadd.s32 $0x8F2B, s0  }
0xc4: {  	[sflag:s0] =	ssyncadd.remote.s32 $0x1  }
0xc5: {  	_ =	sfence.sel $0xFFFF  }
0xc6: {  	[dreg:$0x0] =	wrdreg $0xFFFFFFFF;
	(pc) =	sbr.abs _section_cstart, $3  }
0xc7: {  	[dreg:$0x1] =	wrdreg $0xFFFFFFFF  }
0xc8: {  	_ =	task.clear_ibuf [dreg:s7], $0x2FFFF;
	_ =	strace $0x9FFFFFFF  }
0xc9: {  	(tm) =	ssettm $0x7FFFFFFF  }
tec
execute0_lowered:
.L_overlay_start_1:
0x0: {  	(tag) =	ssettag $0x1  }
0x1: {  	s5 =	rddreg [dreg:$0x0]  }
0x2: {  	s26 =	rddreg [dreg:$0x1]  }
0x3: {  	s2 =	rddreg [dreg:$0x2]  }
0x4: {  	s0 =	rddreg [dreg:$0x3]  }
0x5: {  	s6 =	simm.s32 $0x0;
	s1 =	stileid.u32;
	s3 =	simm.s32 $0x2  }
0x6: {  	[smem:$0x7FF] =	sst s6;
	s12 =	sadd.s32 $0x1000, s26;
	s4 =	sshll.u32 s1, $0x6  }
0x7: {  	s20 =	sshll.u32 s1, $0x9;
	_ =	strace $0x80000047;
	s8 =	sadd.s32 s12, s4  }
0x8: {  	[tilespmem:s6], [sflag:$0x2] =	stream.linear.gather [hbm4b:s8+s6], $0x80, $0x38;
	[tilespmem:$0x1500] =	vst v63  }
0x9: {  	s22 =	sor.u32 $0x80, s20;
	_ =	swait.ge [sflag:s3], $0x80  }
0xa: {  	s7 =	sshrl.u32 s22, $0x3;
	[sflag:s3] =	ssyncset.done $0x0  }
0xb: {  	s9 =	sadd.s32 s12, s7;
	s7 =	simm.s32 $0x80;
	[sflag:s3] =	ssyncadd.s32 $0xFFFFFF80  }
0xc: {  	[tilespmem:s7], [sflag:$0x2] =	stream.linear.gather [hbm4b:s9+s6], $0x80, $0x38;
	[tilespmem:$0x1500] =	vst v63  }
0xd: {  	s23 =	sor.u32 $0x100, s20;
	_ =	swait.ge [sflag:s3], $0x80  }
0xe: {  	s10 =	sshrl.u32 s23, $0x3;
	[sflag:s3] =	ssyncset.done $0x0  }
0xf: {  	s11 =	sadd.s32 s12, s10;
	s10 =	simm.s32 $0x100;
	[sflag:s3] =	ssyncadd.s32 $0xFFFFFF80  }
0x10: {  	[tilespmem:s10], [sflag:$0x2] =	stream.linear.gather [hbm4b:s11+s6], $0x80, $0x38;
	[tilespmem:$0x1500] =	vst v63  }
0x11: {  	s24 =	sor.u32 $0x180, s20;
	_ =	swait.ge [sflag:s3], $0x80  }
0x12: {  	s13 =	sshrl.u32 s24, $0x3;
	[sflag:s3] =	ssyncset.done $0x0  }
0x13: {  	s13 =	sadd.s32 s12, s13;
	s12 =	simm.s32 $0x180;
	[sflag:s3] =	ssyncadd.s32 $0xFFFFFF80  }
0x14: {  	[tilespmem:s12], [sflag:$0x2] =	stream.linear.gather [hbm4b:s13+s6], $0x80, $0x38;
	[tilespmem:$0x1500] =	vst v63  }
0x15: {  	_ =	swait.ge [sflag:s3], $0x80  }
0x16: {  	[sflag:s3] =	ssyncset.done $0x0  }
0x17: {  	v0 =	vimm.f32 $0.0e+00;
	[sflag:s3] =	ssyncadd.s32 $0xFFFFFF80  }
0x18: {  	v1 =	vimm.f32 $1.000000000e+00;
	[tilespmem:$0x12F0] =	vst v0  }
0x19: {  	[tilespmem:$0x1270] =	vst v1  }
0x1a: {  	[tilespmem:$0x12E0] =	vst v0  }
0x1b: {  	[tilespmem:$0x1260] =	vst v1  }
0x1c: {  	[tilespmem:$0x12D0] =	vst v0  }
0x1d: {  	[tilespmem:$0x1250] =	vst v1  }
0x1e: {  	[tilespmem:$0x12C0] =	vst v0  }
0x1f: {  	[tilespmem:$0x1240] =	vst v1  }
0x20: {  	[tilespmem:$0x12B0] =	vst v0  }
0x21: {  	[tilespmem:$0x1230] =	vst v1  }
0x22: {  	[tilespmem:$0x12A0] =	vst v0  }
0x23: {  	[tilespmem:$0x1220] =	vst v1  }
0x24: {  	s14 =	srdreg.scid;
	[tilespmem:$0x1290] =	vst v0  }
0x25: {  	s28 =	sand.u32 $0x1, s14;
	[tilespmem:$0x1210] =	vst v1  }
0x26: {  	s17 =	sshll.u32 s28, $0xA;
	[tilespmem:$0x1200] =	vst v1  }
0x27: {  	s15 =	simm.s32 $0x200;
	s16 =	simm.s32 $0x1;
	s14 =	sshrl.u32 s17, $0x2;
	[tilespmem:$0x1280] =	vst v0  }
0x28: {  	[tilespmem:s15], [sflag:$0x1] =	stream.indirect.gather [hbm4b:s5+s7], $0x20, s14, s7, $0xb8;
	[tilespmem:$0x1500] =	vst v63  }
0x29: {  	s19 =	sadd.s32 $0x1400, s26;
	s18 =	sshll.u32 s1, $0xB;
	_ =	swait.ge [sflag:s16], $0x1000  }
0x2a: {  	s18 =	sadd.s32 s19, s18;
	[sflag:s16] =	ssyncset.done $0x0  }
0x2b: {  	s17 =	sadd.s32 s17, s18;
	[sflag:s16] =	ssyncadd.s32 $0xFFFFF000  }
0x2c: {  	[hbm4b:s17+s6] =	stream.linear.scatter [tilespmem:s15], [sflag:$0x2], $0x1000, $0x38;
	[tilespmem:$0x1500] =	vst v63  }
0x2d: {  	_ =	swait.ge [sflag:s3], $0x1000  }
0x2e: {  	s30 =	sshll.u32 s28, $0x8;
	[sflag:s3] =	ssyncset.done $0x0  }
0x2f: {  	s18 =	sor.u32 $0x80, s30;
	[sflag:s3] =	ssyncadd.s32 $0xFFFFF000  }
0x30: {  	[tilespmem:s15], [sflag:$0x1] =	stream.indirect.gather [hbm4b:s5+s7], $0x20, s18, s7, $0xb8;
	[tilespmem:$0x1500] =	vst v63  }
0x31: {  	s21 =	sor.u32 s20, s18;
	_ =	swait.ge [sflag:s16], $0x1000  }
0x32: {  	s21 =	sshll.u32 s21, $0x2;
	[sflag:s16] =	ssyncset.done $0x0  }
0x33: {  	s19 =	sadd.s32 s19, s21;
	[sflag:s16] =	ssyncadd.s32 $0xFFFFF000  }
0x34: {  	[hbm4b:s19+s6] =	stream.linear.scatter [tilespmem:s15], [sflag:$0x2], $0x1000, $0x38;
	[tilespmem:$0x1500] =	vst v63  }
0x35: {  	_ =	swait.ge [sflag:s3], $0x1000  }
0x36: {  	[sflag:s3] =	ssyncset.done $0x0  }
0x37: {  	s20 =	sadd.s32 s20, s2;
	s21 =	simm.s32 $0x1280;
	[sflag:s3] =	ssyncadd.s32 $0xFFFFF000  }
0x38: {  	[spmem:s20] =	stream.linear.scatter [tilespmem:s21], [sflag:$0x2], $0x80, $0x38;
	[tilespmem:$0x1500] =	vst v63  }
0x39: {  	_ =	swait.ge [sflag:s3], $0x80  }
0x3a: {  	[sflag:s3] =	ssyncset.done $0x0  }
0x3b: {  	s22 =	sadd.s32 s22, s2;
	[sflag:s3] =	ssyncadd.s32 $0xFFFFFF80  }
0x3c: {  	[spmem:s22] =	stream.linear.scatter [tilespmem:s21], [sflag:$0x2], $0x80, $0x38;
	[tilespmem:$0x1500] =	vst v63  }
0x3d: {  	_ =	swait.ge [sflag:s3], $0x80  }
0x3e: {  	[sflag:s3] =	ssyncset.done $0x0  }
0x3f: {  	s23 =	sadd.s32 s23, s2;
	[sflag:s3] =	ssyncadd.s32 $0xFFFFFF80  }
0x40: {  	[spmem:s23] =	stream.linear.scatter [tilespmem:s21], [sflag:$0x2], $0x80, $0x38;
	[tilespmem:$0x1500] =	vst v63  }
0x41: {  	_ =	swait.ge [sflag:s3], $0x80  }
0x42: {  	s29 =	sshll.u32 s28, $0xC;
	[sflag:s3] =	ssyncset.done $0x0  }
0x43: {  	s28 =	ssub.s32 $0x2, s28;
	s25 =	sadd.s32 s24, s2;
	[sflag:s3] =	ssyncadd.s32 $0xFFFFFF80  }
0x44: {  	[spmem:s25] =	stream.linear.scatter [tilespmem:s21], [sflag:$0x2], $0x80, $0x38;
	[tilespmem:$0x1500] =	vst v63  }
0x45: {  	s31 =	sshrl.u32 s28, $0x1;
	_ =	swait.ge [sflag:s3], $0x80  }
0x46: {  	s24 =	simm.s32 $0x1200;
	s28 =	ssub.s32 s28, s31;
	[sflag:s3] =	ssyncset.done $0x0  }
0x47: {  	s30 =	sshll.u32 s1, $0x8;
	s31 =	smax.u32 s28, $0x1;
	[sflag:s3] =	ssyncadd.s32 $0xFFFFFF80  }
0x48: {  	s29 =	sor.u32 s30, s29;
	p0 =	sne.s32 s31, $0x1;
	[bflag:$0x0] =	sbarrier.arrive $0xFFFF  }
0x49: {  	[spmem:s2] =	stream.indirect.scatter.add.f32 [tilespmem:s24], [sflag:$0x2], $0x1, s6, s7, $0xb8;
	[tilespmem:$0x1500] =	vst v63  }
.Ltmp0:
0x4a: {  	s28 =	sshrl.u32 s29, $0x3;
	(pc) =	sbr.rel @!p0 .LBB2_2-.Ltmp0, $4  }
0x4b: {  	s26 =	sadd.s32 s28, s26;
	_ =	swait.ge [sflag:s3], $0x80  }
0x4c: {  	s28 =	sadd.s32 s29, s2;
	s29 =	sadd.s32 $0xFFFFFFFF, s31;
	[sflag:s3] =	ssyncset.done $0x0  }
0x4d: {  	s26 =	sadd.s32 $0x9400, s26;
	s28 =	sshrl.u32 s28, $0x3;
	[sflag:s3] =	ssyncadd.s32 $0xFFFFFF80  }
0x4e: {  	[spmem:s2] =	stream.indirect.scatter.add.f32 [tilespmem:s24], [sflag:$0x2], $0x1, s7, s7, $0xb8;
	[tilespmem:$0x1500] =	vst v63  }
.LBB2_1:
0x4f: {  	p0 =	sne.s32 s29, $0x1;
	s29 =	sadd.s32 $0xFFFFFFFF, s29;
	_ =	swait.ge [sflag:s3], $0x80  }
0x50: {  	[sflag:s3] =	ssyncset.done $0x0  }
0x51: {  	[sflag:s3] =	ssyncadd.s32 $0xFFFFFF80  }
0x52: {  	[spmem:s2] =	stream.indirect.scatter.add.f32 [tilespmem:s24], [sflag:$0x2], $0x1, s10, s7, $0xb8;
	[tilespmem:$0x1500] =	vst v63  }
0x53: {  	_ =	swait.ge [sflag:s3], $0x80  }
0x54: {  	[sflag:s3] =	ssyncset.done $0x0  }
0x55: {  	[sflag:s3] =	ssyncadd.s32 $0xFFFFFF80  }
0x56: {  	[spmem:s2] =	stream.indirect.scatter.add.f32 [tilespmem:s24], [sflag:$0x2], $0x1, s12, s7, $0xb8;
	[tilespmem:$0x1500] =	vst v63  }
0x57: {  	_ =	swait.ge [sflag:s3], $0x80  }
0x58: {  	[sflag:s3] =	ssyncset.done $0x0  }
0x59: {  	s30 =	sor.u32 $0x1C02, s4;
	[sflag:s3] =	ssyncadd.s32 $0xFFFFFF80  }
0x5a: {  	[bflag:$0x0] =	sbarrier.arrive $0xFFFF  }
0x5b: {  	[hbm:s26], [sflag:s30] =	dma.local [spmem:s28], $0x20  }
0x5c: {  	_ =	swait.ge [sflag:s3], $0x20  }
0x5d: {  	[sflag:s3] =	ssyncset.done $0x0  }
0x5e: {  	[sflag:s3] =	ssyncadd.s32 $0xFFFFFFE0  }
0x5f: {  	[tilespmem:s6], [sflag:$0x2] =	stream.linear.gather [hbm4b:s8+s6], $0x80, $0x38;
	[tilespmem:$0x1500] =	vst v63  }
0x60: {  	_ =	swait.ge [sflag:s3], $0x80  }
0x61: {  	[sflag:s3] =	ssyncset.done $0x0  }
0x62: {  	[sflag:s3] =	ssyncadd.s32 $0xFFFFFF80  }
0x63: {  	[tilespmem:s7], [sflag:$0x2] =	stream.linear.gather [hbm4b:s9+s6], $0x80, $0x38;
	[tilespmem:$0x1500] =	vst v63  }
0x64: {  	_ =	swait.ge [sflag:s3], $0x80  }
0x65: {  	[sflag:s3] =	ssyncset.done $0x0  }
0x66: {  	[sflag:s3] =	ssyncadd.s32 $0xFFFFFF80  }
0x67: {  	[tilespmem:s10], [sflag:$0x2] =	stream.linear.gather [hbm4b:s11+s6], $0x80, $0x38;
	[tilespmem:$0x1500] =	vst v63  }
0x68: {  	_ =	swait.ge [sflag:s3], $0x80  }
0x69: {  	[sflag:s3] =	ssyncset.done $0x0  }
0x6a: {  	[sflag:s3] =	ssyncadd.s32 $0xFFFFFF80  }
0x6b: {  	[tilespmem:s12], [sflag:$0x2] =	stream.linear.gather [hbm4b:s13+s6], $0x80, $0x38;
	[tilespmem:$0x1500] =	vst v63  }
0x6c: {  	_ =	swait.ge [sflag:s3], $0x80  }
0x6d: {  	[sflag:s3] =	ssyncset.done $0x0  }
0x6e: {  	[sflag:s3] =	ssyncadd.s32 $0xFFFFFF80  }
0x6f: {  	[tilespmem:$0x12F0] =	vst v0  }
0x70: {  	[tilespmem:$0x1270] =	vst v1  }
0x71: {  	[tilespmem:$0x12E0] =	vst v0  }
0x72: {  	[tilespmem:$0x1260] =	vst v1  }
0x73: {  	[tilespmem:$0x12D0] =	vst v0  }
0x74: {  	[tilespmem:$0x1250] =	vst v1  }
0x75: {  	[tilespmem:$0x12C0] =	vst v0  }
0x76: {  	[tilespmem:$0x1240] =	vst v1  }
0x77: {  	[tilespmem:$0x12B0] =	vst v0  }
0x78: {  	[tilespmem:$0x1230] =	vst v1  }
0x79: {  	[tilespmem:$0x12A0] =	vst v0  }
0x7a: {  	[tilespmem:$0x1220] =	vst v1  }
0x7b: {  	[tilespmem:$0x1290] =	vst v0  }
0x7c: {  	[tilespmem:$0x1210] =	vst v1  }
0x7d: {  	[tilespmem:$0x1200] =	vst v1  }
0x7e: {  	[tilespmem:$0x1280] =	vst v0  }
0x7f: {  	[tilespmem:s15], [sflag:$0x1] =	stream.indirect.gather [hbm4b:s5+s7], $0x20, s14, s7, $0xb8;
	[tilespmem:$0x1500] =	vst v63  }
0x80: {  	_ =	swait.ge [sflag:s16], $0x1000  }
0x81: {  	[sflag:s16] =	ssyncset.done $0x0  }
0x82: {  	[sflag:s16] =	ssyncadd.s32 $0xFFFFF000  }
0x83: {  	[hbm4b:s17+s6] =	stream.linear.scatter [tilespmem:s15], [sflag:$0x2], $0x1000, $0x38;
	[tilespmem:$0x1500] =	vst v63  }
0x84: {  	_ =	swait.ge [sflag:s3], $0x1000  }
0x85: {  	[sflag:s3] =	ssyncset.done $0x0  }
0x86: {  	[sflag:s3] =	ssyncadd.s32 $0xFFFFF000  }
0x87: {  	[tilespmem:s15], [sflag:$0x1] =	stream.indirect.gather [hbm4b:s5+s7], $0x20, s18, s7, $0xb8;
	[tilespmem:$0x1500] =	vst v63  }
0x88: {  	_ =	swait.ge [sflag:s16], $0x1000  }
0x89: {  	[sflag:s16] =	ssyncset.done $0x0  }
0x8a: {  	[sflag:s16] =	ssyncadd.s32 $0xFFFFF000  }
0x8b: {  	[hbm4b:s19+s6] =	stream.linear.scatter [tilespmem:s15], [sflag:$0x2], $0x1000, $0x38;
	[tilespmem:$0x1500] =	vst v63  }
0x8c: {  	_ =	swait.ge [sflag:s3], $0x1000  }
0x8d: {  	[sflag:s3] =	ssyncset.done $0x0  }
0x8e: {  	[sflag:s3] =	ssyncadd.s32 $0xFFFFF000  }
0x8f: {  	[spmem:s20] =	stream.linear.scatter [tilespmem:s21], [sflag:$0x2], $0x80, $0x38;
	[tilespmem:$0x1500] =	vst v63  }
0x90: {  	_ =	swait.ge [sflag:s3], $0x80  }
0x91: {  	[sflag:s3] =	ssyncset.done $0x0  }
0x92: {  	[sflag:s3] =	ssyncadd.s32 $0xFFFFFF80  }
0x93: {  	[spmem:s22] =	stream.linear.scatter [tilespmem:s21], [sflag:$0x2], $0x80, $0x38;
	[tilespmem:$0x1500] =	vst v63  }
0x94: {  	_ =	swait.ge [sflag:s3], $0x80  }
0x95: {  	[sflag:s3] =	ssyncset.done $0x0  }
0x96: {  	[sflag:s3] =	ssyncadd.s32 $0xFFFFFF80  }
0x97: {  	[spmem:s23] =	stream.linear.scatter [tilespmem:s21], [sflag:$0x2], $0x80, $0x38;
	[tilespmem:$0x1500] =	vst v63  }
0x98: {  	_ =	swait.ge [sflag:s3], $0x80  }
0x99: {  	[sflag:s3] =	ssyncset.done $0x0  }
0x9a: {  	[sflag:s3] =	ssyncadd.s32 $0xFFFFFF80  }
0x9b: {  	[spmem:s25] =	stream.linear.scatter [tilespmem:s21], [sflag:$0x2], $0x80, $0x38;
	[tilespmem:$0x1500] =	vst v63  }
0x9c: {  	_ =	swait.ge [sflag:s3], $0x80  }
0x9d: {  	[sflag:s3] =	ssyncset.done $0x0  }
0x9e: {  	[sflag:s3] =	ssyncadd.s32 $0xFFFFFF80  }
0x9f: {  	[bflag:$0x0] =	sbarrier.arrive $0xFFFF  }
0xa0: {  	[spmem:s2] =	stream.indirect.scatter.add.f32 [tilespmem:s24], [sflag:$0x2], $0x1, s6, s7, $0xb8;
	[tilespmem:$0x1500] =	vst v63  }
.Ltmp1:
0xa1: {  	_ = 	snop;
	(pc) =	sbr.rel @p0 .LBB2_1-.Ltmp1, $4  }
0xa2: {  	_ =	swait.ge [sflag:s3], $0x80  }
0xa3: {  	[sflag:s3] =	ssyncset.done $0x0  }
0xa4: {  	[sflag:s3] =	ssyncadd.s32 $0xFFFFFF80  }
0xa5: {  	[spmem:s2] =	stream.indirect.scatter.add.f32 [tilespmem:s24], [sflag:$0x2], $0x1, s7, s7, $0xb8;
	[tilespmem:$0x1500] =	vst v63  }
.LBB2_2:
0xa6: {  	_ =	swait.ge [sflag:s3], $0x80  }
0xa7: {  	[sflag:s3] =	ssyncset.done $0x0  }
0xa8: {  	[sflag:s3] =	ssyncadd.s32 $0xFFFFFF80  }
0xa9: {  	[spmem:s2] =	stream.indirect.scatter.add.f32 [tilespmem:s24], [sflag:$0x2], $0x1, s10, s7, $0xb8;
	[tilespmem:$0x1500] =	vst v63  }
0xaa: {  	_ =	swait.ge [sflag:s3], $0x80  }
0xab: {  	[sflag:s3] =	ssyncset.done $0x0  }
0xac: {  	[sflag:s3] =	ssyncadd.s32 $0xFFFFFF80  }
0xad: {  	[spmem:s2] =	stream.indirect.scatter.add.f32 [tilespmem:s24], [sflag:$0x2], $0x1, s12, s7, $0xb8;
	[tilespmem:$0x1500] =	vst v63  }
0xae: {  	_ =	swait.ge [sflag:s3], $0x80  }
0xaf: {  	[sflag:s3] =	ssyncset.done $0x0  }
0xb0: {  	[sflag:s3] =	ssyncadd.s32 $0xFFFFFF80  }
0xb1: {  	s31 =	sor.u32 $0x1C02, s4;
	[bflag:$0x0] =	sbarrier.arrive $0xFFFF  }
0xb2: {  	[hbm:s26], [sflag:s31] =	dma.local [spmem:s28], $0x20  }
0xb3: {  	_ =	swait.ge [sflag:s3], $0x20  }
0xb4: {  	[sflag:s3] =	ssyncset.done $0x0  }
0xb5: {  	[sflag:s3] =	ssyncadd.s32 $0xFFFFFFE0  }
0xb6: {  	_ =	sfence.sel $0x180000  }
0xb7: {  	[bflag:$0x0] =	sbarrier.arrive $0xFFFF  }
0xb8: {  	p0 =	sne.s32 s1, $0x0;
	_ =	strace $0x90000047  }
0xb9: {  	s0 =	sadd.s32 @!p0 $0x100000, s0;
	[bflag:$0x2] =	sbarrier.arrive $0xFFFF  }
0xba: {  	[sflag:s0] =	ssyncadd.tile.s32 @!p0 $0x1;
	_ =	shalt  }
.Lfunc_end2:
_tile_overlayer_lowered:
.L_overlay_start_2:
0xbb: {  	(tag) =	ssettag $0x2  }
0xbc: {  	s0 =	rddreg [dreg:$0x0];
	s2 =	stileid.u32  }
0xbd: {  	s1 =	rddreg [dreg:$0x1];
	p0 =	sne.s32 s2, $0x0  }
0xbe: {  	s3 =	rddreg [dreg:$0x2];
	[bflag:$0x3] =	sbarrier.arrive $0xFFFF;
	s2 =	simm.s32 @!p0 $0x1C02  }
0xbf: {  	[timem:s3], [sflag:s2] =	dma.local @!p0 [hbm:s0], s1  }
0xc0: {  	s0 =	simm.s32 @!p0 $0x2  }
0xc1: {  	_ =	swait.ge @!p0 [sflag:s0], s1  }
0xc2: {  	s1 =	ssub.s32 @!p0 $0x0, s1;
	[sflag:s0] =	ssyncset.done @!p0 $0x0  }
0xc3: {  	[sflag:s0] =	ssyncadd.s32 @!p0 s1  }
0xc4: {  	[bflag:$0x3] =	sbarrier.arrive $0xFFFF  }
0xc5: {  	_ =	shalt  }

</sc_bundles>
